<compile_context>
chip_gen: v7x
topology: tpu7x:2x2x1
jax: 0.10.2.dev20260603
libtpu: 0.0.44.dev20260713+nightly
codegen_flags: <defaults>
</compile_context>

<pallas_src>
import functools

import jax
import jax.numpy as jnp
from jax import lax
from jax.experimental import pallas as pl
from jax.experimental.pallas import tpu as pltpu
from jax.experimental.pallas import tpu_sc as plsc

T = 2048
D = 1024
I = 2048
E = 8
K = 2
NP = T * K
BLK = 256
NBLK = NP // BLK + E - 1
NPAD = NBLK * BLK
IC = 512
NIC = I // IC
CH = 256
TB = 256


def _router_kernel(x_ref, wg_ref, ti_ref, tw_ref, cnt_ref, pos_ref, aux_ref,
                   ohs_ref):
    x = x_ref[...]
    wg = wg_ref[...]
    logits = jax.lax.dot_general(x, wg, (((1,), (1,)), ((), ())),
                                 preferred_element_type=jnp.float32)
    m = jnp.max(logits, axis=1, keepdims=True)
    ex = jnp.exp(logits - m)
    probs = ex / jnp.sum(ex, axis=1, keepdims=True)

    eids = jax.lax.broadcasted_iota(jnp.int32, (T, E), 1)
    m1 = jnp.max(probs, axis=1, keepdims=True)
    i1 = jnp.min(jnp.where(probs >= m1, eids, E), axis=1, keepdims=True)
    oh1 = (eids == i1)
    probs2 = jnp.where(oh1, -jnp.inf, probs)
    m2 = jnp.max(probs2, axis=1, keepdims=True)
    i2 = jnp.min(jnp.where(probs2 >= m2, eids, E), axis=1, keepdims=True)
    oh2 = (eids == i2)
    denom = m1 + m2 + 1e-9
    w1 = m1 / denom
    w2 = m2 / denom

    oh1f = oh1.astype(jnp.float32)
    oh2f = oh2.astype(jnp.float32)
    ohs = oh1f + oh2f
    cnt = jnp.sum(ohs, axis=0, keepdims=True)
    p_mean = jnp.mean(probs, axis=0, keepdims=True)
    aux_ref[...] = E * jnp.sum((cnt / T) * p_mean, axis=1, keepdims=True)
    cnt_i = cnt.astype(jnp.int32)
    cnt_ref[...] = cnt_i

    pcnt = ((cnt + (BLK - 1)) // BLK).astype(jnp.float32) * BLK
    r8 = jax.lax.broadcasted_iota(jnp.int32, (E, E), 0)
    c8 = jax.lax.broadcasted_iota(jnp.int32, (E, E), 1)
    lt8 = (r8 < c8).astype(jnp.float32)
    pad_off = jax.lax.dot_general(pcnt, lt8, (((1,), (0,)), ((), ())),
                                  preferred_element_type=jnp.float32)

    ohs_ref[...] = ohs
    rr = jax.lax.broadcasted_iota(jnp.int32, (CH, CH), 0)
    cc = jax.lax.broadcasted_iota(jnp.int32, (CH, CH), 1)
    ltri = (cc < rr).astype(jnp.float32)

    def scan_body(c, carry):
        blk = ohs_ref[pl.ds(c * CH, CH), :]
        pre = jax.lax.dot_general(ltri, blk, (((1,), (0,)), ((), ())),
                                  preferred_element_type=jnp.float32)
        ohs_ref[pl.ds(c * CH, CH), :] = pre + carry
        return carry + jnp.sum(blk, axis=0, keepdims=True)

    jax.lax.fori_loop(0, T // CH, scan_body, jnp.zeros((1, E), jnp.float32))
    cex = ohs_ref[...]

    sel_off1 = jnp.sum(oh1f * pad_off, axis=1, keepdims=True)
    sel_off2 = jnp.sum(oh2f * pad_off, axis=1, keepdims=True)
    rank1 = jnp.sum(oh1f * cex, axis=1, keepdims=True)
    rank2 = jnp.sum(oh2f * cex, axis=1, keepdims=True)
    pos1 = (sel_off1 + rank1).astype(jnp.int32)
    pos2 = (sel_off2 + rank2).astype(jnp.int32)

    ti_ref[...] = jnp.concatenate([i1, i2], axis=1)
    tw_ref[...] = jnp.concatenate([w1, w2], axis=1)
    pos_ref[...] = jnp.concatenate([pos1, pos2], axis=1)


def _router_call(x_flat, w_gate, interpret=False):
    return pl.pallas_call(
        _router_kernel,
        out_shape=[
            jax.ShapeDtypeStruct((T, K), jnp.int32),
            jax.ShapeDtypeStruct((T, K), jnp.float32),
            jax.ShapeDtypeStruct((1, E), jnp.int32),
            jax.ShapeDtypeStruct((T, K), jnp.int32),
            jax.ShapeDtypeStruct((1, 1), jnp.float32),
        ],
        scratch_shapes=[pltpu.VMEM((T, E), jnp.float32)],
        interpret=interpret,
    )(x_flat, w_gate)


NW = 32

_SC_MESH = plsc.VectorSubcoreMesh(core_axis_name="c", subcore_axis_name="s")


def _ffn_kernel(be_ref, nb_ref, tok_ref, x_ref, gu_ref, down_ref, w_ref,
                y_ref, xg_ref):
    b = pl.program_id(0)

    @pl.when(b < nb_ref[0])
    def _active():
        def body(r, _):
            t = tok_ref[b * BLK + r]
            xg_ref[pl.ds(r, 1), :] = x_ref[pl.ds(t, 1), :]
            return 0
        jax.lax.fori_loop(0, BLK, body, 0)

        xg = xg_ref[...]
        h = jax.lax.dot_general(xg, gu_ref[0], (((1,), (1,)), ((), ())),
                                preferred_element_type=jnp.float32)
        g = h[:, :I]
        u = h[:, I:]
        act = (g / (1.0 + jnp.exp(-g))) * u
        part = jax.lax.dot_general(
            act, down_ref[0], (((1,), (1,)), ((), ())),
            preferred_element_type=jnp.float32)
        y_ref[...] = part * w_ref[...]


def _ffn_call(be, nb, tok_pad, x_flat, egu, ed, w_pad, interpret=False):
    spec = pltpu.PrefetchScalarGridSpec(
        num_scalar_prefetch=3,
        grid=(NBLK,),
        in_specs=[
            pl.BlockSpec((T, D), lambda b, be, nb, tok: (0, 0)),
            pl.BlockSpec((1, 2 * I, D), lambda b, be, nb, tok: (be[b], 0, 0),
                         pipeline_mode=pl.Buffered(buffer_count=1)),
            pl.BlockSpec((1, D, I), lambda b, be, nb, tok: (be[b], 0, 0),
                         pipeline_mode=pl.Buffered(buffer_count=1)),
            pl.BlockSpec((BLK, 1), lambda b, be, nb, tok: (b, 0)),
        ],
        out_specs=pl.BlockSpec((BLK, D), lambda b, be, nb, tok: (b, 0)),
        scratch_shapes=[pltpu.VMEM((BLK, D), jnp.float32)],
    )
    return pl.pallas_call(
        _ffn_kernel,
        grid_spec=spec,
        out_shape=jax.ShapeDtypeStruct((NPAD, D), jnp.float32),
        interpret=interpret,
    )(be, nb, tok_pad, x_flat, egu, ed, w_pad)


TPW = T // NW
TCH = 32


def _sc_combine_kernel(y_hbm, p0_hbm, p1_hbm, out_hbm, i0_v, i1_v, a_v, b_v,
                       sem0, sem1):
    wid = lax.axis_index("s") * 2 + lax.axis_index("c")
    base = wid * TPW
    pltpu.sync_copy(p0_hbm.at[pl.ds(base, TPW)], i0_v)
    pltpu.sync_copy(p1_hbm.at[pl.ds(base, TPW)], i1_v)
    for cstart in range(0, TPW, TCH):
        cp0 = pltpu.async_copy(y_hbm.at[i0_v.at[pl.ds(cstart, TCH)]], a_v,
                               sem0)
        cp1 = pltpu.async_copy(y_hbm.at[i1_v.at[pl.ds(cstart, TCH)]], b_v,
                               sem1)
        cp0.wait()
        cp1.wait()

        def row_body(r, _):
            def lane_body(j, _2):
                sl = pl.ds(j * 16, 16)
                a_v[r, sl] = a_v[r, sl] + b_v[r, sl]
                return 0
            return lax.fori_loop(0, D // 16, lane_body, 0)

        lax.fori_loop(0, TCH, row_body, 0)
        pltpu.sync_copy(a_v, out_hbm.at[pl.ds(base + cstart, TCH)])


def _sc_combine(y_pad_scaled, pos0, pos1):
    k = functools.partial(
        pl.kernel, mesh=_SC_MESH,
        out_type=jax.ShapeDtypeStruct((T, D), jnp.float32),
        scratch_types=[
            pltpu.VMEM((TPW,), jnp.int32),
            pltpu.VMEM((TPW,), jnp.int32),
            pltpu.VMEM((TCH, D), jnp.float32),
            pltpu.VMEM((TCH, D), jnp.float32),
            pltpu.SemaphoreType.DMA,
            pltpu.SemaphoreType.DMA,
        ],
    )(_sc_combine_kernel)
    return k(y_pad_scaled, pos0, pos1)


def _moe(x, w_gate, egu, ed, interpret=False):
    b_, s_, d_ = x.shape
    x_flat = x.reshape(T, D)
    ti, tw, cnt, pos, aux = _router_call(x_flat, w_gate, interpret=interpret)

    pb = (cnt.reshape(E) + (BLK - 1)) // BLK
    ends = jnp.cumsum(pb)
    nblk_act = ends[E - 1].astype(jnp.int32).reshape(1)
    bids = jnp.arange(NBLK, dtype=jnp.int32)
    eb = jnp.minimum(jnp.sum((bids[:, None] >= ends[None, :]).astype(jnp.int32),
                             axis=1), E - 1).astype(jnp.int32)
    last_e = jnp.max(jnp.where(bids < nblk_act[0], eb, -1))
    be = jnp.where(bids < nblk_act[0], eb, last_e).astype(jnp.int32)
    pos_flat = pos.reshape(NP)
    tok_src = (jnp.arange(NP, dtype=jnp.int32) // K)
    tok_pad = jnp.zeros((NPAD,), jnp.int32).at[pos_flat].set(tok_src)

    w_pad = jnp.zeros((NPAD,), jnp.float32).at[pos_flat].set(tw.reshape(NP))

    y_pad = _ffn_call(be, nblk_act, tok_pad, x_flat, egu, ed,
                      w_pad.reshape(NPAD, 1), interpret=interpret)
    out = _sc_combine(y_pad, pos[:, 0], pos[:, 1])
    return out.reshape(b_, s_, d_), aux[0, 0]


def kernel(x, W_gate, expert_gate_up, expert_down):
    return _moe(x, W_gate, expert_gate_up, expert_down)

# --- scband reference (transcript-rebuilt; emitter-appended) ---
"""Pipeline reference for scband-sparse-mo-eblock-7413113553633 (READ-ONLY COPY).

The authoritative reference and input builder live on the scoring server;
editing this copy changes nothing except your own understanding.
"""

import jax
import jax.numpy as jnp
import numpy as np

B, S, D_MODEL, I_SIZE, E, K = 1, 2048, 1024, 2048, 8, 2


def setup_inputs(seed: int = 0) -> dict:
    key = jax.random.key(seed)
    k1, k2, k3, k4 = jax.random.split(key, 4)
    x = jax.random.normal(k1, (B, S, D_MODEL), dtype=jnp.float32)
    W_gate = jax.random.normal(k2, (E, D_MODEL), dtype=jnp.float32) * 0.02
    expert_gate_up = jax.random.normal(k3, (E, 2 * I_SIZE, D_MODEL), dtype=jnp.float32) * 0.02
    expert_down = jax.random.normal(k4, (E, D_MODEL, I_SIZE), dtype=jnp.float32) * 0.02
    return {"x": x, "W_gate": W_gate, "expert_gate_up": expert_gate_up, "expert_down": expert_down}


def reference(x, W_gate, expert_gate_up, expert_down):
    B_, S_, D = x.shape
    T = B_ * S_
    x_flat = x.reshape(T, D)
    # --- router (MoERouter) ---
    logits = x_flat @ W_gate.T
    router_probs = jax.nn.softmax(logits, axis=-1)
    top_w, top_idx = jax.lax.top_k(router_probs, K)
    top_w = top_w / (top_w.sum(-1, keepdims=True) + 1e-9)
    # --- sort-based dispatch (capacity_factor=None path) ---
    flat_e = top_idx.reshape(-1)
    flat_t = jnp.repeat(jnp.arange(T), K)
    flat_w = top_w.reshape(-1)
    order = jnp.argsort(flat_e)
    se = flat_e[order]
    st = flat_t[order]
    sw = flat_w[order]
    counts = jnp.bincount(se, length=E)
    capacity = (T * K + 31) // 32 * 32
    offsets = jnp.concatenate([jnp.zeros((1,), counts.dtype), jnp.cumsum(counts[:-1])])
    positions = jnp.arange(se.shape[0]) - offsets[se]
    # --- scatter into padded (E, capacity, D) ---
    padded = jnp.zeros((E, capacity, D), x.dtype).at[se, positions].set(x_flat[st])
    # --- batched SwiGLU expert FFN ---
    h = jnp.einsum('ecd,efd->ecf', padded, expert_gate_up)
    gate, up = jnp.split(h, 2, axis=-1)
    act = jax.nn.silu(gate) * up
    expert_out = jnp.einsum('eci,edi->ecd', act, expert_down)
    # --- weighted combine back to token order ---
    gathered = expert_out[se, positions] * sw[:, None]
    out = jnp.zeros((T, D), x.dtype).at[st].add(gathered)
    # --- load-balancing aux loss ---
    f_frac = jax.lax.stop_gradient(counts.astype(x.dtype) / T)
    P = router_probs.mean(0)
    aux_loss = E * (f_frac * P).sum()
    return (out.reshape(B_, S_, D), aux_loss)

if __name__ == "__main__":
    import jax
    _d = setup_inputs()
    print(jax.jit(kernel)(*tuple(_d.values())))

</pallas_src>

<mosaic_0001>
#map = affine_map<(d0, d1) -> (0, 0)>
#map1 = affine_map<(d0, d1) -> (0)>
module attributes {stable_mosaic.version = 14 : i64} {
  func.func @_sc_combine_kernel(%arg0: i32, %arg1: i32, %arg2: memref<5888x1024xf32, #tpu.memory_space<hbm>>, %arg3: memref<2048xi32, #tpu.memory_space<hbm>>, %arg4: memref<2048xi32, #tpu.memory_space<hbm>>, %arg5: memref<2048x1024xf32, #tpu.memory_space<hbm>>, %arg6: memref<64xi32, #tpu.memory_space<vmem>>, %arg7: memref<64xi32, #tpu.memory_space<vmem>>, %arg8: memref<32x1024xf32, #tpu.memory_space<vmem>>, %arg9: memref<32x1024xf32, #tpu.memory_space<vmem>>, %arg10: memref<!tpu.dma_semaphore, #tpu.memory_space<semaphore_mem>>, %arg11: memref<!tpu.dma_semaphore, #tpu.memory_space<semaphore_mem>>) attributes {dimension_semantics = [#tpu.dimension_semantics<core_parallel>, #tpu.dimension_semantics<subcore_parallel>], iteration_bounds = array<i64: 2, 16>, scalar_prefetch = 0 : i64, scratch_operands = 6 : i64, tpu.core_type = #tpu.core_type<sc_vector_subcore>, window_params = [{transform_indices = #map}, {transform_indices = #map1}, {transform_indices = #map1}, {transform_indices = #map}]} {
    %mul3A = arith.constant 2 : i32
    %mul3A_0 = arith.muli %arg1, %mul3A : i32
    %add3A = arith.addi %mul3A_0, %arg0 : i32
    %mul3A_1 = arith.constant 64 : i32
    %mul3A_2 = arith.muli %add3A, %mul3A_1 : i32
    "tpu.region"() ({
      %run_scoped3A = tpu.sem_alloc : memref<!tpu.dma_semaphore, #tpu.memory_space<semaphore_mem>>
      %dma_start3A_58 = tpu.memref_slice %arg3[%mul3A_2] : memref<2048xi32, #tpu.memory_space<hbm>> -> memref<64xi32, #tpu.memory_space<hbm>>
      %dma_start3A_59 = tpu.memref_slice %arg3[%mul3A_2] : memref<2048xi32, #tpu.memory_space<hbm>> -> memref<64xi32, #tpu.memory_space<hbm>>
      tpu.enqueue_dma source(%dma_start3A_59 : memref<64xi32, #tpu.memory_space<hbm>>) target(%arg6 : memref<64xi32, #tpu.memory_space<vmem>>) target_semaphore(%run_scoped3A : memref<!tpu.dma_semaphore, #tpu.memory_space<semaphore_mem>>)
      %dma_wait3A_60 = tpu.memref_slice %arg3[%mul3A_2] : memref<2048xi32, #tpu.memory_space<hbm>> -> memref<64xi32, #tpu.memory_space<hbm>>
      %dma_wait3A_61 = tpu.memref_slice %arg3[%mul3A_2] : memref<2048xi32, #tpu.memory_space<hbm>> -> memref<64xi32, #tpu.memory_space<hbm>>
      tpu.wait_dma2 semaphore(%run_scoped3A : memref<!tpu.dma_semaphore, #tpu.memory_space<semaphore_mem>>) src(%dma_wait3A_61 : memref<64xi32, #tpu.memory_space<hbm>>) dst(%arg6 : memref<64xi32, #tpu.memory_space<vmem>>)
      tpu.yield
    }) : () -> ()
    "tpu.region"() ({
      %run_scoped3A = tpu.sem_alloc : memref<!tpu.dma_semaphore, #tpu.memory_space<semaphore_mem>>
      %dma_start3A_58 = tpu.memref_slice %arg4[%mul3A_2] : memref<2048xi32, #tpu.memory_space<hbm>> -> memref<64xi32, #tpu.memory_space<hbm>>
      %dma_start3A_59 = tpu.memref_slice %arg4[%mul3A_2] : memref<2048xi32, #tpu.memory_space<hbm>> -> memref<64xi32, #tpu.memory_space<hbm>>
      tpu.enqueue_dma source(%dma_start3A_59 : memref<64xi32, #tpu.memory_space<hbm>>) target(%arg7 : memref<64xi32, #tpu.memory_space<vmem>>) target_semaphore(%run_scoped3A : memref<!tpu.dma_semaphore, #tpu.memory_space<semaphore_mem>>)
      %dma_wait3A_60 = tpu.memref_slice %arg4[%mul3A_2] : memref<2048xi32, #tpu.memory_space<hbm>> -> memref<64xi32, #tpu.memory_space<hbm>>
      %dma_wait3A_61 = tpu.memref_slice %arg4[%mul3A_2] : memref<2048xi32, #tpu.memory_space<hbm>> -> memref<64xi32, #tpu.memory_space<hbm>>
      tpu.wait_dma2 semaphore(%run_scoped3A : memref<!tpu.dma_semaphore, #tpu.memory_space<semaphore_mem>>) src(%dma_wait3A_61 : memref<64xi32, #tpu.memory_space<hbm>>) dst(%arg7 : memref<64xi32, #tpu.memory_space<vmem>>)
      tpu.yield
    }) : () -> ()
    %dma_start3A = arith.constant 0 : i32
    %dma_start3A_3 = tpu.memref_slice %arg6[%dma_start3A] : memref<64xi32, #tpu.memory_space<vmem>> -> memref<32xi32, #tpu.memory_space<vmem>>
    %dma_start3A_4 = arith.constant 0 : i32
    %dma_start3A_5 = arith.constant 0 : i32
    %dma_start3A_6 = tpu.memref_slice %arg2[%dma_start3A_4, %dma_start3A_5] : memref<5888x1024xf32, #tpu.memory_space<hbm>> -> memref<5888x1024xf32, #tpu.memory_space<hbm>>
    tpu.enqueue_indirect_dma source(%dma_start3A_6 : memref<5888x1024xf32, #tpu.memory_space<hbm>>) target(%arg8 : memref<32x1024xf32, #tpu.memory_space<vmem>>) offsets(%dma_start3A_3 : memref<32xi32, #tpu.memory_space<vmem>>) semaphore(%arg10 : memref<!tpu.dma_semaphore, #tpu.memory_space<semaphore_mem>>)
    %dma_start3A_7 = arith.constant 0 : i32
    %dma_start3A_8 = tpu.memref_slice %arg7[%dma_start3A_7] : memref<64xi32, #tpu.memory_space<vmem>> -> memref<32xi32, #tpu.memory_space<vmem>>
    %dma_start3A_9 = arith.constant 0 : i32
    %dma_start3A_10 = arith.constant 0 : i32
    %dma_start3A_11 = tpu.memref_slice %arg2[%dma_start3A_9, %dma_start3A_10] : memref<5888x1024xf32, #tpu.memory_space<hbm>> -> memref<5888x1024xf32, #tpu.memory_space<hbm>>
    tpu.enqueue_indirect_dma source(%dma_start3A_11 : memref<5888x1024xf32, #tpu.memory_space<hbm>>) target(%arg9 : memref<32x1024xf32, #tpu.memory_space<vmem>>) offsets(%dma_start3A_8 : memref<32xi32, #tpu.memory_space<vmem>>) semaphore(%arg11 : memref<!tpu.dma_semaphore, #tpu.memory_space<semaphore_mem>>)
    %dma_wait3A = arith.constant 0 : i32
    %dma_wait3A_12 = tpu.memref_slice %arg6[%dma_wait3A] : memref<64xi32, #tpu.memory_space<vmem>> -> memref<32xi32, #tpu.memory_space<vmem>>
    %dma_wait3A_13 = arith.constant 0 : i32
    %dma_wait3A_14 = arith.constant 0 : i32
    %dma_wait3A_15 = tpu.memref_slice %arg2[%dma_wait3A_13, %dma_wait3A_14] : memref<5888x1024xf32, #tpu.memory_space<hbm>> -> memref<5888x1024xf32, #tpu.memory_space<hbm>>
    tpu.wait_indirect_dma semaphore(%arg10 : memref<!tpu.dma_semaphore, #tpu.memory_space<semaphore_mem>>) src(%dma_wait3A_15 : memref<5888x1024xf32, #tpu.memory_space<hbm>>) dst(%arg8 : memref<32x1024xf32, #tpu.memory_space<vmem>>)
    %dma_wait3A_16 = arith.constant 0 : i32
    %dma_wait3A_17 = tpu.memref_slice %arg7[%dma_wait3A_16] : memref<64xi32, #tpu.memory_space<vmem>> -> memref<32xi32, #tpu.memory_space<vmem>>
    %dma_wait3A_18 = arith.constant 0 : i32
    %dma_wait3A_19 = arith.constant 0 : i32
    %dma_wait3A_20 = tpu.memref_slice %arg2[%dma_wait3A_18, %dma_wait3A_19] : memref<5888x1024xf32, #tpu.memory_space<hbm>> -> memref<5888x1024xf32, #tpu.memory_space<hbm>>
    tpu.wait_indirect_dma semaphore(%arg11 : memref<!tpu.dma_semaphore, #tpu.memory_space<semaphore_mem>>) src(%dma_wait3A_20 : memref<5888x1024xf32, #tpu.memory_space<hbm>>) dst(%arg9 : memref<32x1024xf32, #tpu.memory_space<vmem>>)
    %scan3A = arith.constant 0 : i32
    %scan3A_21 = arith.constant 0 : i32
    %scan3A_22 = arith.constant 32 : i32
    %scan3A_23 = arith.addi %scan3A_21, %scan3A_22 : i32
    %scan3A_24 = arith.constant 1 : i32
    %scan3A_25 = scf.for %scan3A_58 = %scan3A_21 to %scan3A_23 step %scan3A_24 iter_args(%scan3A_59 = %scan3A) -> (i32)  : i32 {
      %scan3A_60 = arith.constant 0 : i32
      %scan3A_61 = arith.constant 0 : i32
      %scan3A_62 = arith.constant 64 : i32
      %scan3A_63 = arith.addi %scan3A_61, %scan3A_62 : i32
      %scan3A_64 = arith.constant 1 : i32
      %scan3A_65 = scf.for %scan3A_67 = %scan3A_61 to %scan3A_63 step %scan3A_64 iter_args(%scan3A_68 = %scan3A_60) -> (i32)  : i32 {
        %mul3A_69 = arith.constant 16 : i32
        %mul3A_70 = arith.muli %scan3A_67, %mul3A_69 : i32
        %get3A = arith.index_cast %scan3A_58 : i32 to index
        %get3A_71 = arith.index_cast %mul3A_70 : i32 to index
        %get3A_72 = tpu.vector_load %arg8[%get3A, %get3A_71] {strides = array<i32>} : memref<32x1024xf32, #tpu.memory_space<vmem>>, vector<1x16xf32>,
        %get3A_73 = vector.shape_cast %get3A_72 : vector<1x16xf32> to vector<16xf32>
        %get3A_74 = arith.index_cast %scan3A_58 : i32 to index
        %get3A_75 = arith.index_cast %mul3A_70 : i32 to index
        %get3A_76 = tpu.vector_load %arg9[%get3A_74, %get3A_75] {strides = array<i32>} : memref<32x1024xf32, #tpu.memory_space<vmem>>, vector<1x16xf32>,
        %get3A_77 = vector.shape_cast %get3A_76 : vector<1x16xf32> to vector<16xf32>
        %add3A_78 = arith.addf %get3A_73, %get3A_77 : vector<16xf32>
        %swap3A = arith.index_cast %scan3A_58 : i32 to index
        %swap3A_79 = arith.index_cast %mul3A_70 : i32 to index
        %swap3A_80 = tpu.vector_load %arg8[%swap3A, %swap3A_79] {strides = array<i32>} : memref<32x1024xf32, #tpu.memory_space<vmem>>, vector<1x16xf32>,
        %swap3A_81 = vector.shape_cast %swap3A_80 : vector<1x16xf32> to vector<16xf32>
        %swap3A_82 = vector.shape_cast %add3A_78 : vector<16xf32> to vector<1x16xf32>
        tpu.vector_store %arg8[%swap3A, %swap3A_79], %swap3A_82 {strides = array<i32>} : memref<32x1024xf32, #tpu.memory_space<vmem>>, vector<1x16xf32>,
        %scan3A_83 = arith.constant 0 : i32
        scf.yield %scan3A_83 : i32
      }
      %scan3A_66 = arith.constant 64 : i32
      scf.yield %scan3A_65 : i32
    }
    %scan3A_26 = arith.constant 32 : i32
    %add3A_27 = arith.constant 0 : i32
    %add3A_28 = arith.addi %mul3A_2, %add3A_27 : i32
    "tpu.region"() ({
      %run_scoped3A = tpu.sem_alloc : memref<!tpu.dma_semaphore, #tpu.memory_space<semaphore_mem>>
      %dma_start3A_58 = arith.constant 0 : i32
      %dma_start3A_59 = tpu.memref_slice %arg5[%add3A_28, %dma_start3A_58] : memref<2048x1024xf32, #tpu.memory_space<hbm>> -> memref<32x1024xf32, #tpu.memory_space<hbm>>
      %dma_start3A_60 = arith.constant 0 : i32
      %dma_start3A_61 = tpu.memref_slice %arg5[%add3A_28, %dma_start3A_60] : memref<2048x1024xf32, #tpu.memory_space<hbm>> -> memref<32x1024xf32, #tpu.memory_space<hbm>>
      tpu.enqueue_dma source(%arg8 : memref<32x1024xf32, #tpu.memory_space<vmem>>) target(%dma_start3A_61 : memref<32x1024xf32, #tpu.memory_space<hbm>>) target_semaphore(%run_scoped3A : memref<!tpu.dma_semaphore, #tpu.memory_space<semaphore_mem>>)
      %dma_wait3A_62 = arith.constant 0 : i32
      %dma_wait3A_63 = tpu.memref_slice %arg5[%add3A_28, %dma_wait3A_62] : memref<2048x1024xf32, #tpu.memory_space<hbm>> -> memref<32x1024xf32, #tpu.memory_space<hbm>>
      %dma_wait3A_64 = arith.constant 0 : i32
      %dma_wait3A_65 = tpu.memref_slice %arg5[%add3A_28, %dma_wait3A_64] : memref<2048x1024xf32, #tpu.memory_space<hbm>> -> memref<32x1024xf32, #tpu.memory_space<hbm>>
      tpu.wait_dma2 semaphore(%run_scoped3A : memref<!tpu.dma_semaphore, #tpu.memory_space<semaphore_mem>>) src(%arg8 : memref<32x1024xf32, #tpu.memory_space<vmem>>) dst(%dma_wait3A_65 : memref<32x1024xf32, #tpu.memory_space<hbm>>)
      tpu.yield
    }) : () -> ()
    %dma_start3A_29 = arith.constant 32 : i32
    %dma_start3A_30 = tpu.memref_slice %arg6[%dma_start3A_29] : memref<64xi32, #tpu.memory_space<vmem>> -> memref<32xi32, #tpu.memory_space<vmem>>
    %dma_start3A_31 = arith.constant 0 : i32
    %dma_start3A_32 = arith.constant 0 : i32
    %dma_start3A_33 = tpu.memref_slice %arg2[%dma_start3A_31, %dma_start3A_32] : memref<5888x1024xf32, #tpu.memory_space<hbm>> -> memref<5888x1024xf32, #tpu.memory_space<hbm>>
    tpu.enqueue_indirect_dma source(%dma_start3A_33 : memref<5888x1024xf32, #tpu.memory_space<hbm>>) target(%arg8 : memref<32x1024xf32, #tpu.memory_space<vmem>>) offsets(%dma_start3A_30 : memref<32xi32, #tpu.memory_space<vmem>>) semaphore(%arg10 : memref<!tpu.dma_semaphore, #tpu.memory_space<semaphore_mem>>)
    %dma_start3A_34 = arith.constant 32 : i32
    %dma_start3A_35 = tpu.memref_slice %arg7[%dma_start3A_34] : memref<64xi32, #tpu.memory_space<vmem>> -> memref<32xi32, #tpu.memory_space<vmem>>
    %dma_start3A_36 = arith.constant 0 : i32
    %dma_start3A_37 = arith.constant 0 : i32
    %dma_start3A_38 = tpu.memref_slice %arg2[%dma_start3A_36, %dma_start3A_37] : memref<5888x1024xf32, #tpu.memory_space<hbm>> -> memref<5888x1024xf32, #tpu.memory_space<hbm>>
    tpu.enqueue_indirect_dma source(%dma_start3A_38 : memref<5888x1024xf32, #tpu.memory_space<hbm>>) target(%arg9 : memref<32x1024xf32, #tpu.memory_space<vmem>>) offsets(%dma_start3A_35 : memref<32xi32, #tpu.memory_space<vmem>>) semaphore(%arg11 : memref<!tpu.dma_semaphore, #tpu.memory_space<semaphore_mem>>)
    %dma_wait3A_39 = arith.constant 32 : i32
    %dma_wait3A_40 = tpu.memref_slice %arg6[%dma_wait3A_39] : memref<64xi32, #tpu.memory_space<vmem>> -> memref<32xi32, #tpu.memory_space<vmem>>
    %dma_wait3A_41 = arith.constant 0 : i32
    %dma_wait3A_42 = arith.constant 0 : i32
    %dma_wait3A_43 = tpu.memref_slice %arg2[%dma_wait3A_41, %dma_wait3A_42] : memref<5888x1024xf32, #tpu.memory_space<hbm>> -> memref<5888x1024xf32, #tpu.memory_space<hbm>>
    tpu.wait_indirect_dma semaphore(%arg10 : memref<!tpu.dma_semaphore, #tpu.memory_space<semaphore_mem>>) src(%dma_wait3A_43 : memref<5888x1024xf32, #tpu.memory_space<hbm>>) dst(%arg8 : memref<32x1024xf32, #tpu.memory_space<vmem>>)
    %dma_wait3A_44 = arith.constant 32 : i32
    %dma_wait3A_45 = tpu.memref_slice %arg7[%dma_wait3A_44] : memref<64xi32, #tpu.memory_space<vmem>> -> memref<32xi32, #tpu.memory_space<vmem>>
    %dma_wait3A_46 = arith.constant 0 : i32
    %dma_wait3A_47 = arith.constant 0 : i32
    %dma_wait3A_48 = tpu.memref_slice %arg2[%dma_wait3A_46, %dma_wait3A_47] : memref<5888x1024xf32, #tpu.memory_space<hbm>> -> memref<5888x1024xf32, #tpu.memory_space<hbm>>
    tpu.wait_indirect_dma semaphore(%arg11 : memref<!tpu.dma_semaphore, #tpu.memory_space<semaphore_mem>>) src(%dma_wait3A_48 : memref<5888x1024xf32, #tpu.memory_space<hbm>>) dst(%arg9 : memref<32x1024xf32, #tpu.memory_space<vmem>>)
    %scan3A_49 = arith.constant 0 : i32
    %scan3A_50 = arith.constant 0 : i32
    %scan3A_51 = arith.constant 32 : i32
    %scan3A_52 = arith.addi %scan3A_50, %scan3A_51 : i32
    %scan3A_53 = arith.constant 1 : i32
    %scan3A_54 = scf.for %scan3A_58 = %scan3A_50 to %scan3A_52 step %scan3A_53 iter_args(%scan3A_59 = %scan3A_49) -> (i32)  : i32 {
      %scan3A_60 = arith.constant 0 : i32
      %scan3A_61 = arith.constant 0 : i32
      %scan3A_62 = arith.constant 64 : i32
      %scan3A_63 = arith.addi %scan3A_61, %scan3A_62 : i32
      %scan3A_64 = arith.constant 1 : i32
      %scan3A_65 = scf.for %scan3A_67 = %scan3A_61 to %scan3A_63 step %scan3A_64 iter_args(%scan3A_68 = %scan3A_60) -> (i32)  : i32 {
        %mul3A_69 = arith.constant 16 : i32
        %mul3A_70 = arith.muli %scan3A_67, %mul3A_69 : i32
        %get3A = arith.index_cast %scan3A_58 : i32 to index
        %get3A_71 = arith.index_cast %mul3A_70 : i32 to index
        %get3A_72 = tpu.vector_load %arg8[%get3A, %get3A_71] {strides = array<i32>} : memref<32x1024xf32, #tpu.memory_space<vmem>>, vector<1x16xf32>,
        %get3A_73 = vector.shape_cast %get3A_72 : vector<1x16xf32> to vector<16xf32>
        %get3A_74 = arith.index_cast %scan3A_58 : i32 to index
        %get3A_75 = arith.index_cast %mul3A_70 : i32 to index
        %get3A_76 = tpu.vector_load %arg9[%get3A_74, %get3A_75] {strides = array<i32>} : memref<32x1024xf32, #tpu.memory_space<vmem>>, vector<1x16xf32>,
        %get3A_77 = vector.shape_cast %get3A_76 : vector<1x16xf32> to vector<16xf32>
        %add3A_78 = arith.addf %get3A_73, %get3A_77 : vector<16xf32>
        %swap3A = arith.index_cast %scan3A_58 : i32 to index
        %swap3A_79 = arith.index_cast %mul3A_70 : i32 to index
        %swap3A_80 = tpu.vector_load %arg8[%swap3A, %swap3A_79] {strides = array<i32>} : memref<32x1024xf32, #tpu.memory_space<vmem>>, vector<1x16xf32>,
        %swap3A_81 = vector.shape_cast %swap3A_80 : vector<1x16xf32> to vector<16xf32>
        %swap3A_82 = vector.shape_cast %add3A_78 : vector<16xf32> to vector<1x16xf32>
        tpu.vector_store %arg8[%swap3A, %swap3A_79], %swap3A_82 {strides = array<i32>} : memref<32x1024xf32, #tpu.memory_space<vmem>>, vector<1x16xf32>,
        %scan3A_83 = arith.constant 0 : i32
        scf.yield %scan3A_83 : i32
      }
      %scan3A_66 = arith.constant 64 : i32
      scf.yield %scan3A_65 : i32
    }
    %scan3A_55 = arith.constant 32 : i32
    %add3A_56 = arith.constant 32 : i32
    %add3A_57 = arith.addi %mul3A_2, %add3A_56 : i32
    "tpu.region"() ({
      %run_scoped3A = tpu.sem_alloc : memref<!tpu.dma_semaphore, #tpu.memory_space<semaphore_mem>>
      %dma_start3A_58 = arith.constant 0 : i32
      %dma_start3A_59 = tpu.memref_slice %arg5[%add3A_57, %dma_start3A_58] : memref<2048x1024xf32, #tpu.memory_space<hbm>> -> memref<32x1024xf32, #tpu.memory_space<hbm>>
      %dma_start3A_60 = arith.constant 0 : i32
      %dma_start3A_61 = tpu.memref_slice %arg5[%add3A_57, %dma_start3A_60] : memref<2048x1024xf32, #tpu.memory_space<hbm>> -> memref<32x1024xf32, #tpu.memory_space<hbm>>
      tpu.enqueue_dma source(%arg8 : memref<32x1024xf32, #tpu.memory_space<vmem>>) target(%dma_start3A_61 : memref<32x1024xf32, #tpu.memory_space<hbm>>) target_semaphore(%run_scoped3A : memref<!tpu.dma_semaphore, #tpu.memory_space<semaphore_mem>>)
      %dma_wait3A_62 = arith.constant 0 : i32
      %dma_wait3A_63 = tpu.memref_slice %arg5[%add3A_57, %dma_wait3A_62] : memref<2048x1024xf32, #tpu.memory_space<hbm>> -> memref<32x1024xf32, #tpu.memory_space<hbm>>
      %dma_wait3A_64 = arith.constant 0 : i32
      %dma_wait3A_65 = tpu.memref_slice %arg5[%add3A_57, %dma_wait3A_64] : memref<2048x1024xf32, #tpu.memory_space<hbm>> -> memref<32x1024xf32, #tpu.memory_space<hbm>>
      tpu.wait_dma2 semaphore(%run_scoped3A : memref<!tpu.dma_semaphore, #tpu.memory_space<semaphore_mem>>) src(%arg8 : memref<32x1024xf32, #tpu.memory_space<vmem>>) dst(%dma_wait3A_65 : memref<32x1024xf32, #tpu.memory_space<hbm>>)
      tpu.yield
    }) : () -> ()
    return
  }
}

module attributes {stable_mosaic.version = 14 : i64} {
  func.func @_router_kernel(%arg0: memref<2048x1024xf32, #tpu.memory_space<vmem>>, %arg1: memref<8x1024xf32, #tpu.memory_space<vmem>>, %arg2: memref<2048x2xi32, #tpu.memory_space<vmem>>, %arg3: memref<2048x2xf32, #tpu.memory_space<vmem>>, %arg4: memref<1x8xi32, #tpu.memory_space<vmem>>, %arg5: memref<2048x2xi32, #tpu.memory_space<vmem>>, %arg6: memref<1x1xf32, #tpu.memory_space<vmem>>, %arg7: memref<2048x8xf32, #tpu.memory_space<vmem>>) attributes {dimension_semantics = [], scalar_prefetch = 0 : i64, scratch_operands = 1 : i64, tpu.core_type = #tpu.core_type<tc>} {
    %get3A = arith.constant 0 : index
    %get3A_0 = arith.constant 0 : index
    %get3A_1 = vector.load %arg0[%get3A, %get3A_0] : memref<2048x1024xf32, #tpu.memory_space<vmem>>, vector<2048x1024xf32>
    %get3A_2 = arith.constant 0 : index
    %get3A_3 = arith.constant 0 : index
    %get3A_4 = vector.load %arg1[%get3A_2, %get3A_3] : memref<8x1024xf32, #tpu.memory_space<vmem>>, vector<8x1024xf32>
    %dot_general3A = arith.constant dense<0.000000e+00> : vector<2048x8xf32>
    %dot_general3A_5 = tpu.matmul %get3A_1, %get3A_4, %dot_general3A {dimension_numbers = #tpu.dot_dimension_numbers<[1], [1], [0], [0], [0, 0, 1, 0], [], []>, transpose_lhs_hint = false} : vector<2048x1024xf32>, vector<8x1024xf32>, vector<2048x8xf32> -> vector<2048x8xf32>
    %reduce_max3A = arith.constant dense<0xFF800000> : vector<2048xf32>
    %reduce_max3A_6 = vector.multi_reduction <maximumf>, %dot_general3A_5, %reduce_max3A [1] : vector<2048x8xf32> to vector<2048xf32>
    %broadcast_in_dim3A = vector.shape_cast %reduce_max3A_6 : vector<2048xf32> to vector<2048x1xf32>
    %sub3A = vector.broadcast %broadcast_in_dim3A : vector<2048x1xf32> to vector<2048x8xf32>
    %sub3A_7 = arith.subf %dot_general3A_5, %sub3A : vector<2048x8xf32>
    %exp3A = math.exp %sub3A_7 : vector<2048x8xf32>
    %reduce_sum3A = arith.constant dense<0.000000e+00> : vector<2048xf32>
    %reduce_sum3A_8 = vector.multi_reduction <add>, %exp3A, %reduce_sum3A [1] : vector<2048x8xf32> to vector<2048xf32>
    %broadcast_in_dim3A_9 = vector.shape_cast %reduce_sum3A_8 : vector<2048xf32> to vector<2048x1xf32>
    %div3A = vector.broadcast %broadcast_in_dim3A_9 : vector<2048x1xf32> to vector<2048x8xf32>
    %div3A_10 = arith.divf %exp3A, %div3A : vector<2048x8xf32>
    %iota3A = tpu.iota {dimensions = array<i32: 1>} : vector<2048x8xi32>
    %reduce_max3A_11 = arith.constant dense<0xFF800000> : vector<2048xf32>
    %reduce_max3A_12 = vector.multi_reduction <maximumf>, %div3A_10, %reduce_max3A_11 [1] : vector<2048x8xf32> to vector<2048xf32>
    %broadcast_in_dim3A_13 = vector.shape_cast %reduce_max3A_12 : vector<2048xf32> to vector<2048x1xf32>
    %ge3A = vector.broadcast %broadcast_in_dim3A_13 : vector<2048x1xf32> to vector<2048x8xf32>
    %ge3A_14 = arith.cmpf oge, %div3A_10, %ge3A : vector<2048x8xf32>
    %jit3A = arith.constant 8 : i32
    %broadcast_in_dim3A_15 = vector.broadcast %jit3A : i32 to vector<2048x8xi32>
    %select_n3A = arith.select %ge3A_14, %iota3A, %broadcast_in_dim3A_15 : vector<2048x8xi1>, vector<2048x8xi32>
    %reduce_min3A = arith.constant dense<2147483647> : vector<2048xi32>
    %reduce_min3A_16 = vector.multi_reduction <minsi>, %select_n3A, %reduce_min3A [1] : vector<2048x8xi32> to vector<2048xi32>
    %broadcast_in_dim3A_17 = vector.shape_cast %reduce_min3A_16 : vector<2048xi32> to vector<2048x1xi32>
    %eq3A = vector.broadcast %broadcast_in_dim3A_17 : vector<2048x1xi32> to vector<2048x8xi32>
    %eq3A_18 = arith.cmpi eq, %iota3A, %eq3A : vector<2048x8xi32>
    %jit3A_19 = arith.constant 0xFF800000 : f32
    %broadcast_in_dim3A_20 = vector.broadcast %jit3A_19 : f32 to vector<2048x8xf32>
    %select_n3A_21 = arith.select %eq3A_18, %broadcast_in_dim3A_20, %div3A_10 : vector<2048x8xi1>, vector<2048x8xf32>
    %reduce_max3A_22 = arith.constant dense<0xFF800000> : vector<2048xf32>
    %reduce_max3A_23 = vector.multi_reduction <maximumf>, %select_n3A_21, %reduce_max3A_22 [1] : vector<2048x8xf32> to vector<2048xf32>
    %broadcast_in_dim3A_24 = vector.shape_cast %reduce_max3A_23 : vector<2048xf32> to vector<2048x1xf32>
    %ge3A_25 = vector.broadcast %broadcast_in_dim3A_24 : vector<2048x1xf32> to vector<2048x8xf32>
    %ge3A_26 = arith.cmpf oge, %select_n3A_21, %ge3A_25 : vector<2048x8xf32>
    %jit3A_27 = arith.constant 8 : i32
    %broadcast_in_dim3A_28 = vector.broadcast %jit3A_27 : i32 to vector<2048x8xi32>
    %select_n3A_29 = arith.select %ge3A_26, %iota3A, %broadcast_in_dim3A_28 : vector<2048x8xi1>, vector<2048x8xi32>
    %reduce_min3A_30 = arith.constant dense<2147483647> : vector<2048xi32>
    %reduce_min3A_31 = vector.multi_reduction <minsi>, %select_n3A_29, %reduce_min3A_30 [1] : vector<2048x8xi32> to vector<2048xi32>
    %broadcast_in_dim3A_32 = vector.shape_cast %reduce_min3A_31 : vector<2048xi32> to vector<2048x1xi32>
    %eq3A_33 = vector.broadcast %broadcast_in_dim3A_32 : vector<2048x1xi32> to vector<2048x8xi32>
    %eq3A_34 = arith.cmpi eq, %iota3A, %eq3A_33 : vector<2048x8xi32>
    %add3A = arith.addf %broadcast_in_dim3A_13, %broadcast_in_dim3A_24 : vector<2048x1xf32>
    %add3A_35 = arith.constant 9.99999971E-10 : f32
    %add3A_36 = vector.broadcast %add3A_35 : f32 to vector<2048x1xf32>
    %add3A_37 = arith.addf %add3A, %add3A_36 : vector<2048x1xf32>
    %div3A_38 = arith.divf %broadcast_in_dim3A_13, %add3A_37 : vector<2048x1xf32>
    %div3A_39 = arith.divf %broadcast_in_dim3A_24, %add3A_37 : vector<2048x1xf32>
    %convert_element_type3A = arith.extui %eq3A_18 : vector<2048x8xi1> to vector<2048x8xi32>
    %convert_element_type3A_40 = arith.sitofp %convert_element_type3A : vector<2048x8xi32> to vector<2048x8xf32>
    %convert_element_type3A_41 = arith.extui %eq3A_34 : vector<2048x8xi1> to vector<2048x8xi32>
    %convert_element_type3A_42 = arith.sitofp %convert_element_type3A_41 : vector<2048x8xi32> to vector<2048x8xf32>
    %add3A_43 = arith.addf %convert_element_type3A_40, %convert_element_type3A_42 : vector<2048x8xf32>
    %reduce_sum3A_44 = arith.constant dense<0.000000e+00> : vector<8xf32>
    %reduce_sum3A_45 = vector.multi_reduction <add>, %add3A_43, %reduce_sum3A_44 [0] : vector<2048x8xf32> to vector<8xf32>
    %broadcast_in_dim3A_46 = vector.shape_cast %reduce_sum3A_45 : vector<8xf32> to vector<1x8xf32>
    %reduce_sum3A_47 = arith.constant dense<0.000000e+00> : vector<8xf32>
    %reduce_sum3A_48 = vector.multi_reduction <add>, %div3A_10, %reduce_sum3A_47 [0] : vector<2048x8xf32> to vector<8xf32>
    %broadcast_in_dim3A_49 = vector.shape_cast %reduce_sum3A_48 : vector<8xf32> to vector<1x8xf32>
    %div3A_50 = arith.constant 2.048000e+03 : f32
    %div3A_51 = vector.broadcast %div3A_50 : f32 to vector<1x8xf32>
    %div3A_52 = arith.divf %broadcast_in_dim3A_49, %div3A_51 : vector<1x8xf32>
    %div3A_53 = arith.constant 2.048000e+03 : f32
    %div3A_54 = vector.broadcast %div3A_53 : f32 to vector<1x8xf32>
    %div3A_55 = arith.divf %broadcast_in_dim3A_46, %div3A_54 : vector<1x8xf32>
    %mul3A = arith.mulf %div3A_55, %div3A_52 : vector<1x8xf32>
    %reduce_sum3A_56 = arith.constant dense<0.000000e+00> : vector<1xf32>
    %reduce_sum3A_57 = vector.multi_reduction <add>, %mul3A, %reduce_sum3A_56 [1] : vector<1x8xf32> to vector<1xf32>
    %broadcast_in_dim3A_58 = vector.shape_cast %reduce_sum3A_57 : vector<1xf32> to vector<1x1xf32>
    %mul3A_59 = arith.constant 8.000000e+00 : f32
    %mul3A_60 = vector.broadcast %mul3A_59 : f32 to vector<1x1xf32>
    %mul3A_61 = arith.mulf %mul3A_60, %broadcast_in_dim3A_58 : vector<1x1xf32>
    %swap3A = arith.constant 0 : index
    %swap3A_62 = arith.constant 0 : index
    %swap3A_63 = vector.load %arg6[%swap3A, %swap3A_62] : memref<1x1xf32, #tpu.memory_space<vmem>>, vector<1x1xf32>
    tpu.vector_store %arg6[%swap3A, %swap3A_62], %mul3A_61 {strides = array<i32>} : memref<1x1xf32, #tpu.memory_space<vmem>>, vector<1x1xf32>,
    %convert_element_type3A_64 = arith.fptosi %broadcast_in_dim3A_46 : vector<1x8xf32> to vector<1x8xi32>
    %swap3A_65 = arith.constant 0 : index
    %swap3A_66 = arith.constant 0 : index
    %swap3A_67 = vector.load %arg4[%swap3A_65, %swap3A_66] : memref<1x8xi32, #tpu.memory_space<vmem>>, vector<1x8xi32>
    tpu.vector_store %arg4[%swap3A_65, %swap3A_66], %convert_element_type3A_64 {strides = array<i32>} : memref<1x8xi32, #tpu.memory_space<vmem>>, vector<1x8xi32>,
    %add3A_68 = arith.constant 2.550000e+02 : f32
    %add3A_69 = vector.broadcast %add3A_68 : f32 to vector<1x8xf32>
    %add3A_70 = arith.addf %broadcast_in_dim3A_46, %add3A_69 : vector<1x8xf32>
    %jit3A_71 = arith.constant 256 : i32
    %convert_element_type3A_72 = arith.sitofp %jit3A_71 : i32 to f32
    %rem3A = vector.broadcast %convert_element_type3A_72 : f32 to vector<1x8xf32>
    %rem3A_73 = arith.remf %add3A_70, %rem3A : vector<1x8xf32>
    %eq3A_74 = arith.constant 0.000000e+00 : f32
    %eq3A_75 = arith.cmpf oeq, %convert_element_type3A_72, %eq3A_74 : f32
    %sub3A_76 = arith.subf %add3A_70, %rem3A_73 : vector<1x8xf32>
    %select_n3A_77 = arith.select %eq3A_75, %add3A_70, %sub3A_76 : vector<1x8xf32>
    %div3A_78 = vector.broadcast %convert_element_type3A_72 : f32 to vector<1x8xf32>
    %div3A_79 = arith.divf %select_n3A_77, %div3A_78 : vector<1x8xf32>
    %ne3A = arith.constant 0.000000e+00 : f32
    %ne3A_80 = vector.broadcast %ne3A : f32 to vector<1x8xf32>
    %ne3A_81 = arith.cmpf one, %rem3A_73, %ne3A_80 : vector<1x8xf32>
    %sign3A = arith.bitcast %convert_element_type3A_72 : f32 to i32
    %sign3A_82 = arith.constant -2147483648 : i32
    %sign3A_83 = arith.andi %sign3A, %sign3A_82 : i32
    %sign3A_84 = arith.constant 1065353216 : i32
    %sign3A_85 = arith.ori %sign3A_84, %sign3A_83 : i32
    %sign3A_86 = arith.bitcast %sign3A_85 : i32 to f32
    %sign3A_87 = math.absf %convert_element_type3A_72 : f32
    %sign3A_88 = arith.constant 0.000000e+00 : f32
    %sign3A_89 = arith.cmpf ogt, %sign3A_87, %sign3A_88 : f32
    %sign3A_90 = arith.select %sign3A_89, %sign3A_86, %convert_element_type3A_72 : f32
    %sign3A_91 = tpu.bitcast %rem3A_73 : vector<1x8xf32> -> vector<1x8xi32>
    %sign3A_92 = arith.constant -2147483648 : i32
    %sign3A_93 = vector.broadcast %sign3A_92 : i32 to vector<1x8xi32>
    %sign3A_94 = arith.andi %sign3A_91, %sign3A_93 : vector<1x8xi32>
    %sign3A_95 = arith.constant 1065353216 : i32
    %sign3A_96 = vector.broadcast %sign3A_95 : i32 to vector<1x8xi32>
    %sign3A_97 = arith.ori %sign3A_96, %sign3A_94 : vector<1x8xi32>
    %sign3A_98 = tpu.bitcast %sign3A_97 : vector<1x8xi32> -> vector<1x8xf32>
    %sign3A_99 = math.absf %rem3A_73 : vector<1x8xf32>
    %sign3A_100 = arith.constant 0.000000e+00 : f32
    %sign3A_101 = vector.broadcast %sign3A_100 : f32 to vector<1x8xf32>
    %sign3A_102 = arith.cmpf ogt, %sign3A_99, %sign3A_101 : vector<1x8xf32>
    %sign3A_103 = arith.select %sign3A_102, %sign3A_98, %rem3A_73 : vector<1x8xi1>, vector<1x8xf32>
    %ne3A_104 = vector.broadcast %sign3A_90 : f32 to vector<1x8xf32>
    %ne3A_105 = arith.cmpf one, %ne3A_104, %sign3A_103 : vector<1x8xf32>
    %and3A = arith.andi %ne3A_81, %ne3A_105 : vector<1x8xi1>
    %sub3A_106 = arith.constant 1.000000e+00 : f32
    %sub3A_107 = vector.broadcast %sub3A_106 : f32 to vector<1x8xf32>
    %sub3A_108 = arith.subf %div3A_79, %sub3A_107 : vector<1x8xf32>
    %select_n3A_109 = arith.select %and3A, %sub3A_108, %div3A_79 : vector<1x8xi1>, vector<1x8xf32>
    %round3A = math.round %select_n3A_109 : vector<1x8xf32>
    %mul3A_110 = arith.constant 2.560000e+02 : f32
    %mul3A_111 = vector.broadcast %mul3A_110 : f32 to vector<1x8xf32>
    %mul3A_112 = arith.mulf %round3A, %mul3A_111 : vector<1x8xf32>
    %iota3A_113 = tpu.iota {dimensions = array<i32: 0>} : vector<8x8xi32>
    %iota3A_114 = tpu.iota {dimensions = array<i32: 1>} : vector<8x8xi32>
    %lt3A = arith.cmpi slt, %iota3A_113, %iota3A_114 : vector<8x8xi32>
    %convert_element_type3A_115 = arith.extui %lt3A : vector<8x8xi1> to vector<8x8xi32>
    %convert_element_type3A_116 = arith.sitofp %convert_element_type3A_115 : vector<8x8xi32> to vector<8x8xf32>
    %dot_general3A_117 = arith.constant dense<0.000000e+00> : vector<1x8xf32>
    %dot_general3A_118 = tpu.matmul %mul3A_112, %convert_element_type3A_116, %dot_general3A_117 {dimension_numbers = #tpu.dot_dimension_numbers<[1], [0], [0], [1], [0, 0, 1, 1], [], []>, transpose_lhs_hint = false} : vector<1x8xf32>, vector<8x8xf32>, vector<1x8xf32> -> vector<1x8xf32>
    %swap3A_119 = arith.constant 0 : index
    %swap3A_120 = arith.constant 0 : index
    %swap3A_121 = vector.load %arg7[%swap3A_119, %swap3A_120] : memref<2048x8xf32, #tpu.memory_space<vmem>>, vector<2048x8xf32>
    tpu.vector_store %arg7[%swap3A_119, %swap3A_120], %add3A_43 {strides = array<i32>} : memref<2048x8xf32, #tpu.memory_space<vmem>>, vector<2048x8xf32>,
    %iota3A_122 = tpu.iota {dimensions = array<i32: 0>} : vector<256x256xi32>
    %iota3A_123 = tpu.iota {dimensions = array<i32: 1>} : vector<256x256xi32>
    %lt3A_124 = arith.cmpi slt, %iota3A_123, %iota3A_122 : vector<256x256xi32>
    %convert_element_type3A_125 = arith.extui %lt3A_124 : vector<256x256xi1> to vector<256x256xi32>
    %convert_element_type3A_126 = arith.sitofp %convert_element_type3A_125 : vector<256x256xi32> to vector<256x256xf32>
    %broadcast_in_dim3A_127 = arith.constant 0.000000e+00 : f32
    %broadcast_in_dim3A_128 = vector.broadcast %broadcast_in_dim3A_127 : f32 to vector<1x8xf32>
    %scan3A = arith.constant 0 : i32
    %scan3A_129 = arith.constant 8 : i32
    %scan3A_130 = arith.addi %scan3A, %scan3A_129 : i32
    %scan3A_131 = arith.constant 1 : i32
    %scan3A_132 = scf.for %scan3A_170 = %scan3A to %scan3A_130 step %scan3A_131 iter_args(%scan3A_171 = %broadcast_in_dim3A_128) -> (vector<1x8xf32>)  : i32 {
      %mul3A_172 = arith.constant 256 : i32
      %mul3A_173 = arith.muli %scan3A_170, %mul3A_172 : i32
      %get3A_174 = arith.index_cast %mul3A_173 : i32 to index
      %get3A_175 = arith.constant 0 : index
      %get3A_176 = vector.load %arg7[%get3A_174, %get3A_175] : memref<2048x8xf32, #tpu.memory_space<vmem>>, vector<256x8xf32>
      %dot_general3A_177 = arith.constant dense<0.000000e+00> : vector<256x8xf32>
      %dot_general3A_178 = tpu.matmul %convert_element_type3A_126, %get3A_176, %dot_general3A_177 {dimension_numbers = #tpu.dot_dimension_numbers<[1], [0], [0], [1], [0, 0, 1, 1], [], []>, transpose_lhs_hint = false} : vector<256x256xf32>, vector<256x8xf32>, vector<256x8xf32> -> vector<256x8xf32>
      %add3A_179 = vector.broadcast %scan3A_171 : vector<1x8xf32> to vector<256x8xf32>
      %add3A_180 = arith.addf %dot_general3A_178, %add3A_179 : vector<256x8xf32>
      %mul3A_181 = arith.constant 256 : i32
      %mul3A_182 = arith.muli %scan3A_170, %mul3A_181 : i32
      %swap3A_183 = arith.index_cast %mul3A_182 : i32 to index
      %swap3A_184 = arith.constant 0 : index
      %swap3A_185 = vector.load %arg7[%swap3A_183, %swap3A_184] : memref<2048x8xf32, #tpu.memory_space<vmem>>, vector<256x8xf32>
      tpu.vector_store %arg7[%swap3A_183, %swap3A_184], %add3A_180 {strides = array<i32>} : memref<2048x8xf32, #tpu.memory_space<vmem>>, vector<256x8xf32>,
      %reduce_sum3A_186 = arith.constant dense<0.000000e+00> : vector<8xf32>
      %reduce_sum3A_187 = vector.multi_reduction <add>, %get3A_176, %reduce_sum3A_186 [0] : vector<256x8xf32> to vector<8xf32>
      %broadcast_in_dim3A_188 = vector.shape_cast %reduce_sum3A_187 : vector<8xf32> to vector<1x8xf32>
      %add3A_189 = arith.addf %scan3A_171, %broadcast_in_dim3A_188 : vector<1x8xf32>
      scf.yield %add3A_189 : vector<1x8xf32>
    }
    %scan3A_133 = arith.constant 8 : i32
    %get3A_134 = arith.constant 0 : index
    %get3A_135 = arith.constant 0 : index
    %get3A_136 = vector.load %arg7[%get3A_134, %get3A_135] : memref<2048x8xf32, #tpu.memory_space<vmem>>, vector<2048x8xf32>
    %mul3A_137 = vector.broadcast %dot_general3A_118 : vector<1x8xf32> to vector<2048x8xf32>
    %mul3A_138 = arith.mulf %convert_element_type3A_40, %mul3A_137 : vector<2048x8xf32>
    %reduce_sum3A_139 = arith.constant dense<0.000000e+00> : vector<2048xf32>
    %reduce_sum3A_140 = vector.multi_reduction <add>, %mul3A_138, %reduce_sum3A_139 [1] : vector<2048x8xf32> to vector<2048xf32>
    %broadcast_in_dim3A_141 = vector.shape_cast %reduce_sum3A_140 : vector<2048xf32> to vector<2048x1xf32>
    %mul3A_142 = vector.broadcast %dot_general3A_118 : vector<1x8xf32> to vector<2048x8xf32>
    %mul3A_143 = arith.mulf %convert_element_type3A_42, %mul3A_142 : vector<2048x8xf32>
    %reduce_sum3A_144 = arith.constant dense<0.000000e+00> : vector<2048xf32>
    %reduce_sum3A_145 = vector.multi_reduction <add>, %mul3A_143, %reduce_sum3A_144 [1] : vector<2048x8xf32> to vector<2048xf32>
    %broadcast_in_dim3A_146 = vector.shape_cast %reduce_sum3A_145 : vector<2048xf32> to vector<2048x1xf32>
    %mul3A_147 = arith.mulf %convert_element_type3A_40, %get3A_136 : vector<2048x8xf32>
    %reduce_sum3A_148 = arith.constant dense<0.000000e+00> : vector<2048xf32>
    %reduce_sum3A_149 = vector.multi_reduction <add>, %mul3A_147, %reduce_sum3A_148 [1] : vector<2048x8xf32> to vector<2048xf32>
    %broadcast_in_dim3A_150 = vector.shape_cast %reduce_sum3A_149 : vector<2048xf32> to vector<2048x1xf32>
    %mul3A_151 = arith.mulf %convert_element_type3A_42, %get3A_136 : vector<2048x8xf32>
    %reduce_sum3A_152 = arith.constant dense<0.000000e+00> : vector<2048xf32>
    %reduce_sum3A_153 = vector.multi_reduction <add>, %mul3A_151, %reduce_sum3A_152 [1] : vector<2048x8xf32> to vector<2048xf32>
    %broadcast_in_dim3A_154 = vector.shape_cast %reduce_sum3A_153 : vector<2048xf32> to vector<2048x1xf32>
    %add3A_155 = arith.addf %broadcast_in_dim3A_141, %broadcast_in_dim3A_150 : vector<2048x1xf32>
    %convert_element_type3A_156 = arith.fptosi %add3A_155 : vector<2048x1xf32> to vector<2048x1xi32>
    %add3A_157 = arith.addf %broadcast_in_dim3A_146, %broadcast_in_dim3A_154 : vector<2048x1xf32>
    %convert_element_type3A_158 = arith.fptosi %add3A_157 : vector<2048x1xf32> to vector<2048x1xi32>
    %concatenate3A = tpu.concatenate %broadcast_in_dim3A_17, %broadcast_in_dim3A_32 in 1 : vector<2048x1xi32>, vector<2048x1xi32> -> vector<2048x2xi32>
    %swap3A_159 = arith.constant 0 : index
    %swap3A_160 = arith.constant 0 : index
    %swap3A_161 = vector.load %arg2[%swap3A_159, %swap3A_160] : memref<2048x2xi32, #tpu.memory_space<vmem>>, vector<2048x2xi32>
    tpu.vector_store %arg2[%swap3A_159, %swap3A_160], %concatenate3A {strides = array<i32>} : memref<2048x2xi32, #tpu.memory_space<vmem>>, vector<2048x2xi32>,
    %concatenate3A_162 = tpu.concatenate %div3A_38, %div3A_39 in 1 : vector<2048x1xf32>, vector<2048x1xf32> -> vector<2048x2xf32>
    %swap3A_163 = arith.constant 0 : index
    %swap3A_164 = arith.constant 0 : index
    %swap3A_165 = vector.load %arg3[%swap3A_163, %swap3A_164] : memref<2048x2xf32, #tpu.memory_space<vmem>>, vector<2048x2xf32>
    tpu.vector_store %arg3[%swap3A_163, %swap3A_164], %concatenate3A_162 {strides = array<i32>} : memref<2048x2xf32, #tpu.memory_space<vmem>>, vector<2048x2xf32>,
    %concatenate3A_166 = tpu.concatenate %convert_element_type3A_156, %convert_element_type3A_158 in 1 : vector<2048x1xi32>, vector<2048x1xi32> -> vector<2048x2xi32>
    %swap3A_167 = arith.constant 0 : index
    %swap3A_168 = arith.constant 0 : index
    %swap3A_169 = vector.load %arg5[%swap3A_167, %swap3A_168] : memref<2048x2xi32, #tpu.memory_space<vmem>>, vector<2048x2xi32>
    tpu.vector_store %arg5[%swap3A_167, %swap3A_168], %concatenate3A_166 {strides = array<i32>} : memref<2048x2xi32, #tpu.memory_space<vmem>>, vector<2048x2xi32>,
    return
  }
}

module attributes {stable_mosaic.version = 14 : i64} {
  func.func @_ffn_kernel(%arg0: i32, %arg1: memref<23xi32, #tpu.memory_space<smem>>, %arg2: memref<1xi32, #tpu.memory_space<smem>>, %arg3: memref<5888xi32, #tpu.memory_space<smem>>, %arg4: memref<2048x1024xf32, #tpu.memory_space<vmem>>, %arg5: memref<1x4096x1024xf32, #tpu.memory_space<vmem>>, %arg6: memref<1x1024x2048xf32, #tpu.memory_space<vmem>>, %arg7: memref<256x1xf32, #tpu.memory_space<vmem>>, %arg8: memref<256x1024xf32, #tpu.memory_space<vmem>>, %arg9: memref<256x1024xf32, #tpu.memory_space<vmem>>) attributes {dimension_semantics = [#tpu.dimension_semantics<arbitrary>], iteration_bounds = array<i64: 23>, scalar_prefetch = 3 : i64, scratch_operands = 1 : i64, tpu.core_type = #tpu.core_type<tc>, window_params = [{pipeline_mode = #tpu.pipeline_mode<synchronous>, transform_indices = @transform_0, window_bounds = array<i64: 2048, 1024>}, {pipeline_mode = #tpu.pipeline_mode<synchronous>, transform_indices = @transform_1, window_bounds = array<i64: 1, 4096, 1024>}, {pipeline_mode = #tpu.pipeline_mode<synchronous>, transform_indices = @transform_2, window_bounds = array<i64: 1, 1024, 2048>}, {transform_indices = @transform_3, window_bounds = array<i64: 256, 1>}, {transform_indices = @transform_4, window_bounds = array<i64: 256, 1024>}]} {
    %get3A = arith.constant 0 : index
    %get3A_0 = memref.load %arg2[%get3A] : memref<1xi32, #tpu.memory_space<smem>>
    %lt3A = arith.cmpi slt, %arg0, %get3A_0 : i32
    %convert_element_type3A = arith.extui %lt3A : i1 to i32
    %cond3A = arith.constant 0 : i32
    %cond3A_1 = arith.cmpi ne, %convert_element_type3A, %cond3A : i32
    scf.if %cond3A_1 {
      %scan3A = arith.constant 0 : i32
      %scan3A_2 = arith.constant 256 : i32
      %scan3A_3 = arith.addi %scan3A, %scan3A_2 : i32
      %scan3A_4 = arith.constant 1 : i32
      scf.for %scan3A_34 = %scan3A to %scan3A_3 step %scan3A_4  : i32 {
        %mul3A_35 = arith.constant 256 : i32
        %mul3A_36 = arith.muli %arg0, %mul3A_35 : i32
        %add3A_37 = arith.addi %mul3A_36, %scan3A_34 : i32
        %get3A_38 = arith.index_cast %add3A_37 : i32 to index
        %get3A_39 = memref.load %arg3[%get3A_38] : memref<5888xi32, #tpu.memory_space<smem>>
        %get3A_40 = arith.index_cast %get3A_39 : i32 to index
        %get3A_41 = arith.constant 0 : index
        %get3A_42 = vector.load %arg4[%get3A_40, %get3A_41] : memref<2048x1024xf32, #tpu.memory_space<vmem>>, vector<1x1024xf32>
        %swap3A_43 = arith.index_cast %scan3A_34 : i32 to index
        %swap3A_44 = arith.constant 0 : index
        %swap3A_45 = vector.load %arg9[%swap3A_43, %swap3A_44] : memref<256x1024xf32, #tpu.memory_space<vmem>>, vector<1x1024xf32>
        tpu.vector_store %arg9[%swap3A_43, %swap3A_44], %get3A_42 {strides = array<i32>} : memref<256x1024xf32, #tpu.memory_space<vmem>>, vector<1x1024xf32>,
      }
      %scan3A_5 = arith.constant 256 : i32
      %get3A_6 = arith.constant 0 : index
      %get3A_7 = arith.constant 0 : index
      %get3A_8 = vector.load %arg9[%get3A_6, %get3A_7] : memref<256x1024xf32, #tpu.memory_space<vmem>>, vector<256x1024xf32>
      %get3A_9 = arith.constant 0 : index
      %get3A_10 = arith.constant 0 : index
      %get3A_11 = arith.constant 0 : index
      %get3A_12 = vector.load %arg5[%get3A_9, %get3A_10, %get3A_11] : memref<1x4096x1024xf32, #tpu.memory_space<vmem>>, vector<1x4096x1024xf32>
      %get3A_13 = vector.shape_cast %get3A_12 : vector<1x4096x1024xf32> to vector<4096x1024xf32>
      %dot_general3A = arith.constant dense<0.000000e+00> : vector<256x4096xf32>
      %dot_general3A_14 = tpu.matmul %get3A_8, %get3A_13, %dot_general3A {dimension_numbers = #tpu.dot_dimension_numbers<[1], [1], [0], [0], [0, 0, 1, 0], [], []>, transpose_lhs_hint = false} : vector<256x1024xf32>, vector<4096x1024xf32>, vector<256x4096xf32> -> vector<256x4096xf32>
      %slice3A = vector.extract_strided_slice %dot_general3A_14 {offsets = [0, 0], sizes = [256, 2048], strides = [1, 1]} : vector<256x4096xf32> to vector<256x2048xf32>
      %slice3A_15 = vector.extract_strided_slice %dot_general3A_14 {offsets = [0, 2048], sizes = [256, 2048], strides = [1, 1]} : vector<256x4096xf32> to vector<256x2048xf32>
      %neg3A = arith.constant 0.000000e+00 : f32
      %neg3A_16 = vector.broadcast %neg3A : f32 to vector<256x2048xf32>
      %neg3A_17 = arith.subf %neg3A_16, %slice3A : vector<256x2048xf32>
      %exp3A = math.exp %neg3A_17 : vector<256x2048xf32>
      %add3A = arith.constant 1.000000e+00 : f32
      %add3A_18 = vector.broadcast %add3A : f32 to vector<256x2048xf32>
      %add3A_19 = arith.addf %add3A_18, %exp3A : vector<256x2048xf32>
      %div3A = arith.divf %slice3A, %add3A_19 : vector<256x2048xf32>
      %mul3A = arith.mulf %div3A, %slice3A_15 : vector<256x2048xf32>
      %get3A_20 = arith.constant 0 : index
      %get3A_21 = arith.constant 0 : index
      %get3A_22 = arith.constant 0 : index
      %get3A_23 = vector.load %arg6[%get3A_20, %get3A_21, %get3A_22] : memref<1x1024x2048xf32, #tpu.memory_space<vmem>>, vector<1x1024x2048xf32>
      %get3A_24 = vector.shape_cast %get3A_23 : vector<1x1024x2048xf32> to vector<1024x2048xf32>
      %dot_general3A_25 = arith.constant dense<0.000000e+00> : vector<256x1024xf32>
      %dot_general3A_26 = tpu.matmul %mul3A, %get3A_24, %dot_general3A_25 {dimension_numbers = #tpu.dot_dimension_numbers<[1], [1], [0], [0], [0, 0, 1, 0], [], []>, transpose_lhs_hint = false} : vector<256x2048xf32>, vector<1024x2048xf32>, vector<256x1024xf32> -> vector<256x1024xf32>
      %get3A_27 = arith.constant 0 : index
      %get3A_28 = arith.constant 0 : index
      %get3A_29 = vector.load %arg7[%get3A_27, %get3A_28] : memref<256x1xf32, #tpu.memory_space<vmem>>, vector<256x1xf32>
      %mul3A_30 = vector.broadcast %get3A_29 : vector<256x1xf32> to vector<256x1024xf32>
      %mul3A_31 = arith.mulf %dot_general3A_26, %mul3A_30 : vector<256x1024xf32>
      %swap3A = arith.constant 0 : index
      %swap3A_32 = arith.constant 0 : index
      %swap3A_33 = vector.load %arg8[%swap3A, %swap3A_32] : memref<256x1024xf32, #tpu.memory_space<vmem>>, vector<256x1024xf32>
      tpu.vector_store %arg8[%swap3A, %swap3A_32], %mul3A_31 {strides = array<i32>} : memref<256x1024xf32, #tpu.memory_space<vmem>>, vector<256x1024xf32>,
    } else {
    }
    return
  }
  func.func @transform_0(%arg0: i32, %arg1: memref<23xi32, #tpu.memory_space<smem>>, %arg2: memref<1xi32, #tpu.memory_space<smem>>, %arg3: memref<5888xi32, #tpu.memory_space<smem>>) -> (i32, i32) {
    %c0_i32 = arith.constant 0 : i32
    %c0_i32_0 = arith.constant 0 : i32
    %c0_i32_1 = arith.constant 0 : i32
    return %c0_i32, %c0_i32_0 : i32, i32
  }
  func.func @transform_1(%arg0: i32, %arg1: memref<23xi32, #tpu.memory_space<smem>>, %arg2: memref<1xi32, #tpu.memory_space<smem>>, %arg3: memref<5888xi32, #tpu.memory_space<smem>>) -> (i32, i32, i32) {
    %get3A = arith.index_cast %arg0 : i32 to index
    %get3A_0 = memref.load %arg1[%get3A] : memref<23xi32, #tpu.memory_space<smem>>
    %c0_i32 = arith.constant 0 : i32
    %c0_i32_1 = arith.constant 0 : i32
    %c0_i32_2 = arith.constant 0 : i32
    return %get3A_0, %c0_i32, %c0_i32_1 : i32, i32, i32
  }
  func.func @transform_2(%arg0: i32, %arg1: memref<23xi32, #tpu.memory_space<smem>>, %arg2: memref<1xi32, #tpu.memory_space<smem>>, %arg3: memref<5888xi32, #tpu.memory_space<smem>>) -> (i32, i32, i32) {
    %get3A = arith.index_cast %arg0 : i32 to index
    %get3A_0 = memref.load %arg1[%get3A] : memref<23xi32, #tpu.memory_space<smem>>
    %c0_i32 = arith.constant 0 : i32
    %c0_i32_1 = arith.constant 0 : i32
    %c0_i32_2 = arith.constant 0 : i32
    return %get3A_0, %c0_i32, %c0_i32_1 : i32, i32, i32
  }
  func.func @transform_3(%arg0: i32, %arg1: memref<23xi32, #tpu.memory_space<smem>>, %arg2: memref<1xi32, #tpu.memory_space<smem>>, %arg3: memref<5888xi32, #tpu.memory_space<smem>>) -> (i32, i32) {
    %c0_i32 = arith.constant 0 : i32
    %c0_i32_0 = arith.constant 0 : i32
    return %arg0, %c0_i32 : i32, i32
  }
  func.func @transform_4(%arg0: i32, %arg1: memref<23xi32, #tpu.memory_space<smem>>, %arg2: memref<1xi32, #tpu.memory_space<smem>>, %arg3: memref<5888xi32, #tpu.memory_space<smem>>) -> (i32, i32) {
    %c0_i32 = arith.constant 0 : i32
    %c0_i32_0 = arith.constant 0 : i32
    return %arg0, %c0_i32 : i32, i32
  }
}

</mosaic_0001>

<sc_bundles>
// kernel: kernel.5.cloned.1.call-start
scs
__scs_entry_jumppad:
0x0: {  	(pc) =	sbr.rel $0x88, $3  }
0x1: {  	(tag) =	ssettag $0x0;
	lr =	simm.s32 $0x1  }
0x2: {  	[smem:$0x3F9D] =	sst lr;
	_ =	strace $0xD0000000  }
0x3: {  	_ = 	snop  }
0x4: {  	_ = 	snop  }
0x5: {  	_ = 	snop  }
0x6: {  	_ = 	snop  }
0x7: {  	_ = 	snop  }
__scs_overlays_trampoline_lowered:
0x8: {  	[smem:$0x3FAC] =	sst s0  }
0x9: {  	[smem:$0x3FAD] =	sst s1  }
0xa: {  	[smem:$0x3FAE] =	sst s2  }
0xb: {  	[smem:$0x3FAF] =	sst s3  }
0xc: {  	[smem:$0x3FB0] =	sst s4  }
0xd: {  	[smem:$0x3FB1] =	sst s5  }
0xe: {  	[smem:$0x3FB2] =	sst s6  }
0xf: {  	[smem:$0x3FB3] =	sst s7  }
0x10: {  	[smem:$0x3FB4] =	sst s8  }
0x11: {  	[smem:$0x3FB5] =	sst s9;
	s0 =	simm.s32 @!p0 $0x0  }
0x12: {  	s1 =	sld [smem:$0x3F9B];
	s0 =	simm.s32 @p0 $0x1  }
0x13: {  	[smem:$0x3FB6] =	sst s0;
	s0 =	simm.s32 @!p1 $0x0  }
0x14: {  	s2 =	sld [smem:$0x3F9A];
	s0 =	simm.s32 @p1 $0x1  }
0x15: {  	[smem:$0x3FB7] =	sst s0;
	s0 =	simm.s32 @!p2 $0x0  }
0x16: {  	s3 =	sld [smem:$0x3FDB];
	s0 =	simm.s32 @p2 $0x1  }
0x17: {  	s4 =	simm.s32 $0x1BF5;
	[smem:$0x3FB9] =	sst s0  }
0x18: {  	s0 =	sld [smem:$0x3F9C];
	_ =	swait.ge [sflag:s4], $0x0  }
0x19: {  	s7 =	sld [smem:$0x3F9D]  }
0x1a: {  	s8 =	sadd.s32 $0xFFFFE003, lr  }
0x1b: {  	s9 =	sadd.s32 $0xFFFFFEF7, lr;
	s5 =	simm.s32 $0xFFFFFFFF;
	p2 =	slt.u32 s8, $0xFFFFF086  }
0x1c: {  	p1 =	slt.u32 s9, $0xF7A;
	s5 =	simm.s32 @!p2 $0x0  }
0x1d: {  	s5 =	simm.s32 @p1 $0x1;
	p0 =	seq.s32 s7, s2  }
0x1e: {  	s7 =	smul.u32 @!p0 $0xF7A, s2;
	p2 =	seq.s32 @!p0 s5, $0x0  }
0x1f: {  	s9 =	smul.u32 $0xF7A, s1;
	s8 =	simm.s32 @!p0 $0x1BF5;
	p2 =	por !p2, p0  }
0x20: {  	[sflag:s8] =	ssyncset.s32 @!p0 $0xFFFFF086;
	s6 =	sadd.s32 @!p0 s3, s7;
	s7 =	simm.s32 @!p0 $0x108  }
0x21: {  	s3 =	sadd.s32 s3, s9;
	s6 =	sadd.s32 @!p0 $0x88, s6;
	s7 =	simm.s32 @p2 $0x1082  }
0x22: {  	[simem:s7], [sflag:s8] =	dma.local @!p0 [hbm:s6], $0xF7A  }
0x23: {  	s9 =	sor.u32 $0xD0000000, s2;
	s6 =	simm.s32 $0x108;
	_ =	swait.ge @!p0 [sflag:s8], $0x0  }
0x24: {  	s3 =	sadd.s32 $0x88, s3;
	s6 =	simm.s32 @!p1 $0x1082;
	[sflag:s4] =	ssyncset.s32 $0xFFFFF086  }
0x25: {  	[simem:s6], [sflag:s4] =	dma.local [hbm:s3], $0xF7A  }
0x26: {  	[smem:$0x3F9D] =	sst s1;
	(tag) =	ssettag s2;
	_ =	strace s9  }
0x27: {  	s1 =	sld [smem:$0x3FAD]  }
0x28: {  	s2 =	sld [smem:$0x3FAE]  }
0x29: {  	s4 =	sld [smem:$0x3FB0]  }
0x2a: {  	p0 =	seq.s32 s5, $0x0;
	s5 =	sld [smem:$0x3FB1]  }
0x2b: {  	s6 =	sld [smem:$0x3FB2]  }
0x2c: {  	s7 =	sld [smem:$0x3FB3]  }
0x2d: {  	s3 =	simm.s32 $0x108;
	s8 =	sld [smem:$0x3FB4]  }
0x2e: {  	s3 =	simm.s32 @!p0 $0x1082;
	s9 =	sld [smem:$0x3FB5]  }
0x2f: {  	lr =	sadd.s32 s0, s3;
	s0 =	sld [smem:$0x3FAC]  }
0x30: {  	s3 =	sld [smem:$0x3FAF]  }
0x31: {  	[smem:$0x3FB8] =	sst s10  }
0x32: {  	s10 =	sld [smem:$0x3FB6];
	_ =	sdelay $0x3  }
0x33: {  	p0 =	seq.s32 s10, $0x1;
	s10 =	sld [smem:$0x3FB8];
	_ =	sdelay $0x3  }
0x34: {  	[smem:$0x3FB8] =	sst s10  }
0x35: {  	s10 =	sld [smem:$0x3FB7];
	_ =	sdelay $0x3  }
0x36: {  	p1 =	seq.s32 s10, $0x1;
	s10 =	sld [smem:$0x3FB8];
	_ =	sdelay $0x3  }
0x37: {  	[smem:$0x3FB8] =	sst s10  }
0x38: {  	s10 =	sld [smem:$0x3FB9]  }
0x39: {  	_ = 	snop;
	(pc) =	sbr.ind lr, $3  }
0x3a: {  	_ = 	snop  }
0x3b: {  	_ = 	snop  }
0x3c: {  	p2 =	seq.s32 s10, $0x1;
	s10 =	sld [smem:$0x3FB8]  }
0x3d: {  	_ =	shalt  }
0x3e: {  	_ =	shalt  }
0x3f: {  	_ =	shalt  }
0x40: {  	_ =	shalt  }
0x41: {  	_ =	shalt  }
0x42: {  	_ =	shalt  }
0x43: {  	_ =	shalt  }
0x44: {  	_ =	shalt  }
0x45: {  	_ =	shalt  }
0x46: {  	_ =	shalt  }
0x47: {  	_ =	shalt  }
0x48: {  	_ =	shalt  }
0x49: {  	_ =	shalt  }
0x4a: {  	_ =	shalt  }
0x4b: {  	_ =	shalt  }
0x4c: {  	_ =	shalt  }
0x4d: {  	_ =	shalt  }
0x4e: {  	_ =	shalt  }
0x4f: {  	_ =	shalt  }
0x50: {  	_ =	shalt  }
0x51: {  	_ =	shalt  }
0x52: {  	_ =	shalt  }
0x53: {  	_ =	shalt  }
0x54: {  	_ =	shalt  }
0x55: {  	_ =	shalt  }
0x56: {  	_ =	shalt  }
0x57: {  	_ =	shalt  }
0x58: {  	_ =	shalt  }
0x59: {  	_ =	shalt  }
0x5a: {  	_ =	shalt  }
0x5b: {  	_ =	shalt  }
0x5c: {  	_ =	shalt  }
0x5d: {  	_ =	shalt  }
0x5e: {  	_ =	shalt  }
0x5f: {  	_ =	shalt  }
0x60: {  	_ =	shalt  }
0x61: {  	_ =	shalt  }
0x62: {  	_ =	shalt  }
0x63: {  	_ =	shalt  }
0x64: {  	_ =	shalt  }
0x65: {  	_ =	shalt  }
0x66: {  	_ =	shalt  }
0x67: {  	_ =	shalt  }
0x68: {  	_ =	shalt  }
0x69: {  	_ =	shalt  }
0x6a: {  	_ =	shalt  }
0x6b: {  	_ =	shalt  }
0x6c: {  	_ =	shalt  }
0x6d: {  	_ =	shalt  }
0x6e: {  	_ =	shalt  }
0x6f: {  	_ =	shalt  }
0x70: {  	_ =	shalt  }
0x71: {  	_ =	shalt  }
0x72: {  	_ =	shalt  }
0x73: {  	_ =	shalt  }
0x74: {  	_ =	shalt  }
0x75: {  	_ =	shalt  }
0x76: {  	_ =	shalt  }
0x77: {  	_ =	shalt  }
0x78: {  	_ =	shalt  }
0x79: {  	_ =	shalt  }
0x7a: {  	_ =	shalt  }
0x7b: {  	_ =	shalt  }
0x7c: {  	_ =	shalt  }
0x7d: {  	_ =	shalt  }
0x7e: {  	_ =	shalt  }
0x7f: {  	_ =	shalt  }
0x80: {  	_ =	shalt  }
0x81: {  	_ =	shalt  }
0x82: {  	_ =	shalt  }
0x83: {  	_ =	shalt  }
0x84: {  	_ =	shalt  }
0x85: {  	_ =	shalt  }
0x86: {  	_ =	shalt  }
0x87: {  	_ =	shalt  }
.Lfunc_end0:
.L_simem_size_0:
called_computation_lowered:
.L_overlay_start_0:
0x88: {  	s2 =	sld [smem:$0x3FD9]  }
0x89: {  	s3 =	sld [smem:$0x3FFE];
	_ =	sdelay $0x1  }
0x8a: {  	s1 =	srdreg.scid  }
0x8b: {  	s0 =	sand.u32 $0x1, s1  }
0x8c: {  	s14 =	sshll.u32 s0, $0xA;
	s2 =	sadd.s32 s3, s2  }
0x8d: {  	s2 =	sadd.s32 s2, s14  }
0x8e: {  	[smem:$0x3FC4] =	sst s2  }
0x8f: {  	_ = 	snop  }
0x90: {  	s2 =	sld [smem:$0x3FD0];
	_ =	sdelay $0x2  }
0x91: {  	s15 =	simm.s32 $0xA;
	s4 =	simm.s32 $0x10  }
0x92: {  	[smem:s4], [sflag:s15] =	dma.local [hbm:s2], $0x1  }
0x93: {  	_ =	swait.eq [sflag:s15], $0x1  }
0x94: {  	[sflag:s15] =	ssyncset.done $0x0  }
0x95: {  	[sflag:s15] =	ssyncadd.s32 $0xFFFFFFFF  }
0x96: {  	s16 =	sld [smem:$0x10];
	(tm) =	ssettm $0x1  }
0x97: {  	s17 =	sld [smem:$0x3FFB];
	_ =	sdelay $0x3  }
0x98: {  	_ =	strace s17  }
0x99: {  	s3 =	sld [smem:$0x3FFC];
	_ =	sdelay $0x3  }
0x9a: {  	_ =	strace s3  }
0x9b: {  	s3 =	sld [smem:$0x3FFD];
	_ =	sdelay $0x3  }
0x9c: {  	_ =	strace s3  }
0x9d: {  	_ =	strace $0x8FFFFFFF  }
0x9e: {  	s18 =	sld [smem:$0x3FDB];
	_ =	sdelay $0x1  }
0x9f: {  	s19 =	simm.s32 $_scs_section_size  }
0xa0: {  	s5 =	simm.s32 $_size__tile_overlayer_lowered;
	s6 =	simm.s32 $_tile_overlayer_lowered  }
0xa1: {  	s22 =	simm.s32 $0x1BFF;
	s21 =	sshll.u32 s6, $0x1;
	s3 =	sadd.s32 s19, s18  }
0xa2: {  	s7 =	simm.s32 $0x0;
	s20 =	sshll.u32 s5, $0x1;
	s5 =	sadd.s32 s21, s3  }
0xa3: {  	[timem:s7], [sflag:s22] =	dma.local [hbm:s5], s20  }
0xa4: {  	_ =	swait.ge [sflag:s22], s20  }
0xa5: {  	s4 =	ssub.s32 $0x0, s20;
	[sflag:s22] =	ssyncset.done $0x0  }
0xa6: {  	[sflag:s22] =	ssyncadd.s32 s4;
	_ =	sdelay $0x1  }
0xa7: {  	s23 =	simm.s32 $0x1B8B  }
0xa8: {  	_ =	swait.ge [sflag:s23], $0x1  }
0xa9: {  	[sflag:s23] =	ssyncset.done $0x0  }
0xaa: {  	s25 =	simm.s32 $0x1B8E;
	s24 =	sld [smem:$0x3FFE];
	[sflag:s23] =	ssyncadd.s32 $0xFFFFFFFF  }
0xab: {  	s26 =	simm.s32 $execute0_lowered;
	[smem:$0x3FD2] =	sst s25  }
0xac: {  	s5 =	sshll.u32 s26, $0x1;
	_ =	strace $0x80000046;
	[dreg:$0x1] =	wrdreg $0xFFFFFFFF  }
0xad: {  	s28 =	simm.s32 $_size_execute0_lowered;
	s3 =	sadd.s32 s3, s5;
	[dreg:$0x0] =	wrdreg $0x0  }
0xae: {  	s5 =	sshll.u32 s28, $0x1;
	[dreg:$0x2] =	wrdreg s3  }
0xaf: {  	[dreg:$0x3] =	wrdreg s5  }
0xb0: {  	[dreg:$0x4] =	wrdreg $0xC0  }
0xb1: {  	_ =	task [dreg:s7], $0x5FFFF  }
0xb2: {  	[dreg:$0x1] =	wrdreg $0xFFFFFFFF  }
0xb3: {  	[dreg:$0x0] =	wrdreg $0x60  }
0xb4: {  	[dreg:$0x2] =	wrdreg s24  }
0xb5: {  	[dreg:$0x3] =	wrdreg s16  }
0xb6: {  	[dreg:$0x4] =	wrdreg $0x9  }
0xb7: {  	_ =	task.clear_ibuf [dreg:s7], $0x5FFFF;
	_ =	strace $0x90000046  }
0xb8: {  	s29 =	simm.s32 $0x9;
	_ =	strace $0x80000048  }
0xb9: {  	_ =	swait.ge [sflag:s29], $0x1  }
0xba: {  	[sflag:s29] =	ssyncadd.s32 $0xFFFFFFFF  }
0xbb: {  	_ =	strace $0x90000048  }
0xbc: {  	_ =	sfence  }
0xbd: {  	s30 =	sld [smem:$0x0];
	_ =	sdelay $0x2  }
0xbe: {  	s31 =	sshll.u32 s1, $0xD;
	s1 =	sshrl.u32 s1, $0x2  }
0xbf: {  	s3 =	sand.u32 $0x4000, s31;
	s1 =	sadd.s32 s1, s30  }
0xc0: {  	s0 =	sor.u32 s3, s0;
	s1 =	sshll.u32 s1, $0x11  }
0xc1: {  	s0 =	sor.u32 s1, s0  }
0xc2: {  	s0 =	sadd.s32 $0x8F2B, s0  }
0xc3: {  	[sflag:s0] =	ssyncadd.remote.s32 $0x1  }
0xc4: {  	_ =	sfence.sel $0xFFFF  }
0xc5: {  	[dreg:$0x0] =	wrdreg $0xFFFFFFFF;
	(pc) =	sbr.abs _section_cstart, $3  }
0xc6: {  	[dreg:$0x1] =	wrdreg $0xFFFFFFFF  }
0xc7: {  	_ =	task.clear_ibuf [dreg:s7], $0x2FFFF;
	_ =	strace $0x9FFFFFFF  }
0xc8: {  	(tm) =	ssettm $0x7FFFFFFF  }
0xc9: {  	_ =	shalt  }
tec
execute0_lowered:
.L_overlay_start_1:
0x0: {  	(tag) =	ssettag $0x1  }
0x1: {  	s0 =	rddreg [dreg:$0x0]  }
0x2: {  	s1 =	rddreg [dreg:$0x1];
	s2 =	srdreg.scid  }
0x3: {  	s4 =	stileid.u32;
	s12 =	simm.s32 $0x3;
	s14 =	simm.s32 $0x100  }
0x4: {  	s13 =	simm.s32 $0x9900;
	s15 =	simm.s32 $0xA900;
	s10 =	simm.s32 $0xB100  }
0x5: {  	s16 =	simm.s32 $0xB900;
	s11 =	simm.s32 $0xC100;
	s17 =	simm.s32 $0xC900  }
0x6: {  	s18 =	simm.s32 $0xD100;
	s19 =	simm.s32 $0xE100;
	s20 =	simm.s32 $0xE900  }
0x7: {  	s21 =	simm.s32 $0xF100;
	s22 =	simm.s32 $0xF900;
	s23 =	simm.s32 $0x1  }
0x8: {  	s24 =	simm.s32 $0x2;
	s9 =	simm.s32 $0x0;
	s3 =	sand.u32 $0x1, s2  }
0x9: {  	s2 =	simm.s32 $0x0;
	s4 =	sshll.u32 s4, $0x7;
	s5 =	sshll.u32 s3, $0x6  }
0xa: {  	s8 =	sadd.s32 $0x700, s0;
	[smem:$0x7FF] =	sst s2;
	s4 =	sor.u32 s5, s4  }
0xb: {  	s6 =	ssub.s32 $0x2, s3;
	_ =	strace $0x80000047;
	s7 =	sshrl.u32 s4, $0x3  }
0xc: {  	s28 =	sshrl.u32 s6, $0x1;
	s4 =	sshll.u32 s4, $0x7;
	s29 =	sadd.s32 s0, s7  }
0xd: {  	s5 =	ssub.s32 s6, s28;
	s30 =	sadd.s32 s1, s4;
	[dreg:$0x3] =	wrdreg s29  }
0xe: {  	s3 =	sadd.s32 $0x400, s0;
	s31 =	smax.u32 s5, $0x1;
	[dreg:$0x5] =	wrdreg s30  }
0xf: {  	v2 =	vlaneseq.u32;
	s7 =	sadd.s32 $0x600, s0;
	s6 =	sadd.s32 $0x200, s29;
	[dreg:$0x7] =	wrdreg s31  }
0x10: {  	vm0 =	vmmov $0xffff;
	v1 =	vshrl.u32 v2, $0x3;
	[dreg:$0x4] =	wrdreg s6;
	s6 =	sadd.s32 $0x500, s0;
	s0 =	sadd.s32 $0x1000, s30  }
0x11: {  	v0 =	vand.u32 $0x7, v2;
	v2 =	vor.u32 $0x8, v2;
	v1 =	vmul.u32 $0x8, v1;
	s5 =	simm.s32 $0xA100;
	s4 =	simm.s32 $0xD900;
	[dreg:$0x6] =	wrdreg s0  }
.LBB2_1:
0x12: {  	s0 =	rddreg [dreg:$0x4]  }
0x13: {  	[tilespmem:s2], [sflag:$0x3] =	stream.linear.gather [hbm4b:s0+s2], $0x40, $0x38;
	[tilespmem:$0x10100] =	vst v63  }
0x14: {  	_ =	swait.ge [sflag:s12], $0x40  }
0x15: {  	[sflag:s12] =	ssyncset.done $0x0  }
0x16: {  	s1 =	simm.s32 $0x80;
	s26 =	rddreg [dreg:$0x3];
	[sflag:s12] =	ssyncadd.s32 $0xFFFFFFC0  }
0x17: {  	[tilespmem:s1], [sflag:$0x3] =	stream.linear.gather [hbm4b:s26+s2], $0x40, $0x38;
	[tilespmem:$0x10100] =	vst v63  }
0x18: {  	_ =	swait.ge [sflag:s12], $0x40  }
0x19: {  	[sflag:s12] =	ssyncset.done $0x0  }
0x1a: {  	[sflag:s12] =	ssyncadd.s32 $0xFFFFFFC0  }
0x1b: {  	v3 =	vld [tilespmem:$0x0];
	_ =	sdelay $0x4  }
0x1c: {  	v4 =	vshll.u32 v3, $0x3  }
0x1d: {  	v3 =	vand.u32 $0x7, v3;
	v4 =	vand.u32 $0xFFFFFFC0, v4  }
0x1e: {  	v3 =	vor.u32 v3, v4  }
0x1f: {  	v4 =	vperm.xlane v3, v0;
	_ =	sdelay $0x1  }
0x20: {  	v4 =	vadd.s32 v1, v4;
	_ =	sdelay $0x4  }
0x21: {  	[tilespmem:s14], [sflag:$0x1] =	stream.indirect_vreg.gather [hbm4b:s3+s2], $0x80, v4, vm0, $0xb8;
	[tilespmem:$0x10100] =	vst v63  }
0x22: {  	s28 =	simm.s32 $0x900;
	v3 =	vperm.xlane v3, v2  }
0x23: {  	[tilespmem:s28], [sflag:$0x1] =	stream.indirect_vreg.gather [hbm4b:s6+s2], $0x80, v4, vm0, $0xb8;
	[tilespmem:$0x10100] =	vst v63  }
0x24: {  	s29 =	simm.s32 $0x1100;
	v3 =	vadd.s32 v1, v3  }
0x25: {  	[tilespmem:s29], [sflag:$0x1] =	stream.indirect_vreg.gather [hbm4b:s7+s2], $0x80, v4, vm0, $0xb8;
	[tilespmem:$0x10100] =	vst v63  }
0x26: {  	s30 =	simm.s32 $0x1900  }
0x27: {  	[tilespmem:s30], [sflag:$0x1] =	stream.indirect_vreg.gather [hbm4b:s8+s2], $0x80, v4, vm0, $0xb8;
	[tilespmem:$0x10100] =	vst v63  }
0x28: {  	s31 =	simm.s32 $0x2100  }
0x29: {  	[tilespmem:s31], [sflag:$0x1] =	stream.indirect_vreg.gather [hbm4b:s3+s2], $0x80, v3, vm0, $0xb8;
	[tilespmem:$0x10100] =	vst v63  }
0x2a: {  	s1 =	simm.s32 $0x2900  }
0x2b: {  	[tilespmem:s1], [sflag:$0x1] =	stream.indirect_vreg.gather [hbm4b:s6+s2], $0x80, v3, vm0, $0xb8;
	[tilespmem:$0x10100] =	vst v63  }
0x2c: {  	s25 =	simm.s32 $0x3100  }
0x2d: {  	[tilespmem:s25], [sflag:$0x1] =	stream.indirect_vreg.gather [hbm4b:s7+s2], $0x80, v3, vm0, $0xb8;
	[tilespmem:$0x10100] =	vst v63  }
0x2e: {  	s26 =	simm.s32 $0x3900  }
0x2f: {  	[tilespmem:s26], [sflag:$0x1] =	stream.indirect_vreg.gather [hbm4b:s8+s2], $0x80, v3, vm0, $0xb8;
	[tilespmem:$0x10100] =	vst v63  }
0x30: {  	v3 =	vld [tilespmem:$0x10];
	_ =	sdelay $0x4  }
0x31: {  	v61 =	vshll.u32 v3, $0x3  }
0x32: {  	v3 =	vand.u32 $0x7, v3;
	v4 =	vand.u32 $0xFFFFFFC0, v61  }
0x33: {  	v3 =	vor.u32 v3, v4  }
0x34: {  	v4 =	vperm.xlane v3, v0;
	_ =	sdelay $0x1  }
0x35: {  	v4 =	vadd.s32 v1, v4;
	_ =	sdelay $0x3  }
0x36: {  	s28 =	simm.s32 $0x4100  }
0x37: {  	[tilespmem:s28], [sflag:$0x1] =	stream.indirect_vreg.gather [hbm4b:s3+s2], $0x80, v4, vm0, $0xb8;
	[tilespmem:$0x10100] =	vst v63  }
0x38: {  	s29 =	simm.s32 $0x4900;
	v3 =	vperm.xlane v3, v2  }
0x39: {  	[tilespmem:s29], [sflag:$0x1] =	stream.indirect_vreg.gather [hbm4b:s6+s2], $0x80, v4, vm0, $0xb8;
	[tilespmem:$0x10100] =	vst v63  }
0x3a: {  	s30 =	simm.s32 $0x5100;
	v3 =	vadd.s32 v1, v3  }
0x3b: {  	[tilespmem:s30], [sflag:$0x1] =	stream.indirect_vreg.gather [hbm4b:s7+s2], $0x80, v4, vm0, $0xb8;
	[tilespmem:$0x10100] =	vst v63  }
0x3c: {  	s31 =	simm.s32 $0x5900  }
0x3d: {  	[tilespmem:s31], [sflag:$0x1] =	stream.indirect_vreg.gather [hbm4b:s8+s2], $0x80, v4, vm0, $0xb8;
	[tilespmem:$0x10100] =	vst v63  }
0x3e: {  	s1 =	simm.s32 $0x6100  }
0x3f: {  	[tilespmem:s1], [sflag:$0x1] =	stream.indirect_vreg.gather [hbm4b:s3+s2], $0x80, v3, vm0, $0xb8;
	[tilespmem:$0x10100] =	vst v63  }
0x40: {  	s25 =	simm.s32 $0x6900  }
0x41: {  	[tilespmem:s25], [sflag:$0x1] =	stream.indirect_vreg.gather [hbm4b:s6+s2], $0x80, v3, vm0, $0xb8;
	[tilespmem:$0x10100] =	vst v63  }
0x42: {  	s26 =	simm.s32 $0x7100  }
0x43: {  	[tilespmem:s26], [sflag:$0x1] =	stream.indirect_vreg.gather [hbm4b:s7+s2], $0x80, v3, vm0, $0xb8;
	[tilespmem:$0x10100] =	vst v63  }
0x44: {  	s28 =	simm.s32 $0x7900  }
0x45: {  	[tilespmem:s28], [sflag:$0x1] =	stream.indirect_vreg.gather [hbm4b:s8+s2], $0x80, v3, vm0, $0xb8;
	[tilespmem:$0x10100] =	vst v63  }
0x46: {  	v3 =	vld [tilespmem:$0x80];
	_ =	sdelay $0x4  }
0x47: {  	v62 =	vshll.u32 v3, $0x3  }
0x48: {  	v3 =	vand.u32 $0x7, v3;
	v4 =	vand.u32 $0xFFFFFFC0, v62  }
0x49: {  	v3 =	vor.u32 v3, v4  }
0x4a: {  	v4 =	vperm.xlane v3, v0;
	_ =	sdelay $0x1  }
0x4b: {  	v4 =	vadd.s32 v1, v4;
	_ =	sdelay $0x3  }
0x4c: {  	s29 =	simm.s32 $0x8100  }
0x4d: {  	[tilespmem:s29], [sflag:$0x2] =	stream.indirect_vreg.gather [hbm4b:s3+s2], $0x80, v4, vm0, $0xb8;
	[tilespmem:$0x10100] =	vst v63  }
0x4e: {  	s30 =	simm.s32 $0x8900;
	v3 =	vperm.xlane v3, v2  }
0x4f: {  	[tilespmem:s30], [sflag:$0x2] =	stream.indirect_vreg.gather [hbm4b:s6+s2], $0x80, v4, vm0, $0xb8;
	[tilespmem:$0x10100] =	vst v63  }
0x50: {  	s31 =	simm.s32 $0x9100;
	v3 =	vadd.s32 v1, v3  }
0x51: {  	[tilespmem:s31], [sflag:$0x2] =	stream.indirect_vreg.gather [hbm4b:s7+s2], $0x80, v4, vm0, $0xb8;
	[tilespmem:$0x10100] =	vst v63  }
0x52: {  	_ = 	snop  }
0x53: {  	[tilespmem:s13], [sflag:$0x2] =	stream.indirect_vreg.gather [hbm4b:s8+s2], $0x80, v4, vm0, $0xb8;
	[tilespmem:$0x10100] =	vst v63  }
0x54: {  	_ = 	snop  }
0x55: {  	[tilespmem:s5], [sflag:$0x2] =	stream.indirect_vreg.gather [hbm4b:s3+s2], $0x80, v3, vm0, $0xb8;
	[tilespmem:$0x10100] =	vst v63  }
0x56: {  	_ = 	snop  }
0x57: {  	[tilespmem:s15], [sflag:$0x2] =	stream.indirect_vreg.gather [hbm4b:s6+s2], $0x80, v3, vm0, $0xb8;
	[tilespmem:$0x10100] =	vst v63  }
0x58: {  	_ = 	snop  }
0x59: {  	[tilespmem:s10], [sflag:$0x2] =	stream.indirect_vreg.gather [hbm4b:s7+s2], $0x80, v3, vm0, $0xb8;
	[tilespmem:$0x10100] =	vst v63  }
0x5a: {  	_ = 	snop  }
0x5b: {  	[tilespmem:s16], [sflag:$0x2] =	stream.indirect_vreg.gather [hbm4b:s8+s2], $0x80, v3, vm0, $0xb8;
	[tilespmem:$0x10100] =	vst v63  }
0x5c: {  	v3 =	vld [tilespmem:$0x90];
	_ =	sdelay $0x4  }
0x5d: {  	v63 =	vshll.u32 v3, $0x3  }
0x5e: {  	v3 =	vand.u32 $0x7, v3;
	v4 =	vand.u32 $0xFFFFFFC0, v63  }
0x5f: {  	v3 =	vor.u32 v3, v4  }
0x60: {  	v4 =	vperm.xlane v3, v0;
	_ =	sdelay $0x1  }
0x61: {  	v4 =	vadd.s32 v1, v4;
	_ =	sdelay $0x4  }
0x62: {  	[tilespmem:s11], [sflag:$0x2] =	stream.indirect_vreg.gather [hbm4b:s3+s2], $0x80, v4, vm0, $0xb8;
	[tilespmem:$0x10100] =	vst v63  }
0x63: {  	v3 =	vperm.xlane v3, v2  }
0x64: {  	[tilespmem:s17], [sflag:$0x2] =	stream.indirect_vreg.gather [hbm4b:s6+s2], $0x80, v4, vm0, $0xb8;
	[tilespmem:$0x10100] =	vst v63  }
0x65: {  	v3 =	vadd.s32 v1, v3  }
0x66: {  	[tilespmem:s18], [sflag:$0x2] =	stream.indirect_vreg.gather [hbm4b:s7+s2], $0x80, v4, vm0, $0xb8;
	[tilespmem:$0x10100] =	vst v63  }
0x67: {  	_ = 	snop  }
0x68: {  	[tilespmem:s4], [sflag:$0x2] =	stream.indirect_vreg.gather [hbm4b:s8+s2], $0x80, v4, vm0, $0xb8;
	[tilespmem:$0x10100] =	vst v63  }
0x69: {  	_ = 	snop  }
0x6a: {  	[tilespmem:s19], [sflag:$0x2] =	stream.indirect_vreg.gather [hbm4b:s3+s2], $0x80, v3, vm0, $0xb8;
	[tilespmem:$0x10100] =	vst v63  }
0x6b: {  	_ = 	snop  }
0x6c: {  	[tilespmem:s20], [sflag:$0x2] =	stream.indirect_vreg.gather [hbm4b:s6+s2], $0x80, v3, vm0, $0xb8;
	[tilespmem:$0x10100] =	vst v63  }
0x6d: {  	_ = 	snop  }
0x6e: {  	[tilespmem:s21], [sflag:$0x2] =	stream.indirect_vreg.gather [hbm4b:s7+s2], $0x80, v3, vm0, $0xb8;
	[tilespmem:$0x10100] =	vst v63  }
0x6f: {  	_ = 	snop  }
0x70: {  	[tilespmem:s22], [sflag:$0x2] =	stream.indirect_vreg.gather [hbm4b:s8+s2], $0x80, v3, vm0, $0xb8;
	[tilespmem:$0x10100] =	vst v63  }
0x71: {  	_ =	swait.ge [sflag:s23], $0x8000  }
0x72: {  	[sflag:s23] =	ssyncset.done $0x0  }
0x73: {  	[sflag:s23] =	ssyncadd.s32 $0xFFFF8000  }
0x74: {  	_ =	swait.ge [sflag:s24], $0x8000  }
0x75: {  	[sflag:s24] =	ssyncset.done $0x0  }
0x76: {  	s25 =	simm.s32 $0x0;
	[sflag:s24] =	ssyncadd.s32 $0xFFFF8000  }
.LBB2_2:
0x77: {  	s0 =	sshll.u32 s25, $0xA;
	s1 =	sshll.u32 s25, $0x7  }
0x78: {  	s28 =	simm.s32 $0x0;
	s0 =	sand.u32 $0x6000, s0;
	s1 =	sand.u32 $0x380, s1  }
0x79: {  	s26 =	sor.u32 s0, s1;
	s0 =	sand.u32 $0x1C00, s28  }
0x7a: {  	s1 =	sand.u32 $0x70, s28;
	s0 =	sor.u32 s0, s26  }
0x7b: {  	s28 =	sor.u32 s1, s0  }
0x7c: {  	v3 =	vld [tilespmem:s28+$0x8100]  }
0x7d: {  	v4 =	vld [tilespmem:s28+$0x100];
	_ =	sdelay $0x2  }
0x7e: {  	s29 =	simm.s32 $0x80  }
0x7f: {  	s0 =	simm.s32 $0x10;
	s1 =	sand.u32 $0x1C00, s29  }
0x80: {  	s30 =	simm.s32 $0x20;
	s31 =	sand.u32 $0x70, s0;
	s0 =	sor.u32 s1, s26;
	v3 =	vadd.f32 v3, v4  }
.LBB2_3:
0x81: {  	p0 =	sne.s32 s30, $0x3F0;
	s0 =	sor.u32 s31, s0  }
0x82: {  	v4 =	vld [tilespmem:s0+$0x8100];
	[tilespmem:s28+$0x100] =	vst v3;
	s28 =	smov.u32 s0  }
0x83: {  	v3 =	vld [tilespmem:s28+$0x100]  }
.Ltmp0:
0x84: {  	(pc) =	sbr.rel @p0 .LBB2_3-.Ltmp0, $4  }
0x85: {  	_ = 	snop  }
0x86: {  	s29 =	sadd.s32 $0x80, s29  }
0x87: {  	s0 =	sand.u32 $0x1C00, s29  }
0x88: {  	s31 =	sand.u32 $0x70, s30;
	s30 =	sadd.s32 $0x10, s30;
	s0 =	sor.u32 s0, s26;
	v3 =	vadd.f32 v4, v3  }
0x89: {  	s0 =	sor.u32 s31, s0  }
0x8a: {  	v4 =	vld [tilespmem:s0+$0x8100];
	[tilespmem:s28+$0x100] =	vst v3  }
0x8b: {  	v3 =	vld [tilespmem:s0+$0x100]  }
0x8c: {  	s25 =	sadd.s32 $0x1, s25  }
0x8d: {  	p0 =	sne.s32 s25, $0x20  }
.Ltmp1:
0x8e: {  	_ = 	snop;
	(pc) =	sbr.rel @p0 .LBB2_2-.Ltmp1, $3  }
0x8f: {  	_ = 	snop  }
0x90: {  	v3 =	vadd.f32 v4, v3;
	_ =	sdelay $0x1  }
0x91: {  	[tilespmem:s0+$0x100] =	vst v3  }
0x92: {  	s25 =	simm.s32 $0x0;
	s0 =	rddreg [dreg:$0x5]  }
0x93: {  	[hbm4b:s0+s25] =	stream.linear.scatter [tilespmem:s14], [sflag:$0x3], $0x8000, $0x38;
	[tilespmem:$0x10100] =	vst v63  }
0x94: {  	_ =	swait.ge [sflag:s12], $0x8000  }
0x95: {  	[sflag:s12] =	ssyncset.done $0x0  }
0x96: {  	[sflag:s12] =	ssyncadd.s32 $0xFFFF8000  }
0x97: {  	v3 =	vld [tilespmem:$0x20];
	_ =	sdelay $0x4  }
0x98: {  	v4 =	vshll.u32 v3, $0x3  }
0x99: {  	v3 =	vand.u32 $0x7, v3;
	v4 =	vand.u32 $0xFFFFFFC0, v4  }
0x9a: {  	v3 =	vor.u32 v3, v4  }
0x9b: {  	v4 =	vperm.xlane v3, v0;
	_ =	sdelay $0x1  }
0x9c: {  	v4 =	vadd.s32 v1, v4;
	_ =	sdelay $0x4  }
0x9d: {  	[tilespmem:s14], [sflag:$0x1] =	stream.indirect_vreg.gather [hbm4b:s3+s25], $0x80, v4, vm0, $0xb8;
	[tilespmem:$0x10100] =	vst v63  }
0x9e: {  	s1 =	simm.s32 $0x900;
	v3 =	vperm.xlane v3, v2  }
0x9f: {  	[tilespmem:s1], [sflag:$0x1] =	stream.indirect_vreg.gather [hbm4b:s6+s25], $0x80, v4, vm0, $0xb8;
	[tilespmem:$0x10100] =	vst v63  }
0xa0: {  	s26 =	simm.s32 $0x1100;
	v3 =	vadd.s32 v1, v3  }
0xa1: {  	[tilespmem:s26], [sflag:$0x1] =	stream.indirect_vreg.gather [hbm4b:s7+s25], $0x80, v4, vm0, $0xb8;
	[tilespmem:$0x10100] =	vst v63  }
0xa2: {  	s28 =	simm.s32 $0x1900  }
0xa3: {  	[tilespmem:s28], [sflag:$0x1] =	stream.indirect_vreg.gather [hbm4b:s8+s25], $0x80, v4, vm0, $0xb8;
	[tilespmem:$0x10100] =	vst v63  }
0xa4: {  	s29 =	simm.s32 $0x2100  }
0xa5: {  	[tilespmem:s29], [sflag:$0x1] =	stream.indirect_vreg.gather [hbm4b:s3+s25], $0x80, v3, vm0, $0xb8;
	[tilespmem:$0x10100] =	vst v63  }
0xa6: {  	s30 =	simm.s32 $0x2900  }
0xa7: {  	[tilespmem:s30], [sflag:$0x1] =	stream.indirect_vreg.gather [hbm4b:s6+s25], $0x80, v3, vm0, $0xb8;
	[tilespmem:$0x10100] =	vst v63  }
0xa8: {  	s31 =	simm.s32 $0x3100  }
0xa9: {  	[tilespmem:s31], [sflag:$0x1] =	stream.indirect_vreg.gather [hbm4b:s7+s25], $0x80, v3, vm0, $0xb8;
	[tilespmem:$0x10100] =	vst v63  }
0xaa: {  	s1 =	simm.s32 $0x3900  }
0xab: {  	[tilespmem:s1], [sflag:$0x1] =	stream.indirect_vreg.gather [hbm4b:s8+s25], $0x80, v3, vm0, $0xb8;
	[tilespmem:$0x10100] =	vst v63  }
0xac: {  	v3 =	vld [tilespmem:$0x30];
	_ =	sdelay $0x4  }
0xad: {  	v61 =	vshll.u32 v3, $0x3  }
0xae: {  	v3 =	vand.u32 $0x7, v3;
	v4 =	vand.u32 $0xFFFFFFC0, v61  }
0xaf: {  	v3 =	vor.u32 v3, v4  }
0xb0: {  	v4 =	vperm.xlane v3, v0;
	_ =	sdelay $0x1  }
0xb1: {  	v4 =	vadd.s32 v1, v4;
	_ =	sdelay $0x3  }
0xb2: {  	s26 =	simm.s32 $0x4100  }
0xb3: {  	[tilespmem:s26], [sflag:$0x1] =	stream.indirect_vreg.gather [hbm4b:s3+s25], $0x80, v4, vm0, $0xb8;
	[tilespmem:$0x10100] =	vst v63  }
0xb4: {  	s28 =	simm.s32 $0x4900;
	v3 =	vperm.xlane v3, v2  }
0xb5: {  	[tilespmem:s28], [sflag:$0x1] =	stream.indirect_vreg.gather [hbm4b:s6+s25], $0x80, v4, vm0, $0xb8;
	[tilespmem:$0x10100] =	vst v63  }
0xb6: {  	s29 =	simm.s32 $0x5100;
	v3 =	vadd.s32 v1, v3  }
0xb7: {  	[tilespmem:s29], [sflag:$0x1] =	stream.indirect_vreg.gather [hbm4b:s7+s25], $0x80, v4, vm0, $0xb8;
	[tilespmem:$0x10100] =	vst v63  }
0xb8: {  	s30 =	simm.s32 $0x5900  }
0xb9: {  	[tilespmem:s30], [sflag:$0x1] =	stream.indirect_vreg.gather [hbm4b:s8+s25], $0x80, v4, vm0, $0xb8;
	[tilespmem:$0x10100] =	vst v63  }
0xba: {  	s31 =	simm.s32 $0x6100  }
0xbb: {  	[tilespmem:s31], [sflag:$0x1] =	stream.indirect_vreg.gather [hbm4b:s3+s25], $0x80, v3, vm0, $0xb8;
	[tilespmem:$0x10100] =	vst v63  }
0xbc: {  	s1 =	simm.s32 $0x6900  }
0xbd: {  	[tilespmem:s1], [sflag:$0x1] =	stream.indirect_vreg.gather [hbm4b:s6+s25], $0x80, v3, vm0, $0xb8;
	[tilespmem:$0x10100] =	vst v63  }
0xbe: {  	s26 =	simm.s32 $0x7100  }
0xbf: {  	[tilespmem:s26], [sflag:$0x1] =	stream.indirect_vreg.gather [hbm4b:s7+s25], $0x80, v3, vm0, $0xb8;
	[tilespmem:$0x10100] =	vst v63  }
0xc0: {  	s28 =	simm.s32 $0x7900  }
0xc1: {  	[tilespmem:s28], [sflag:$0x1] =	stream.indirect_vreg.gather [hbm4b:s8+s25], $0x80, v3, vm0, $0xb8;
	[tilespmem:$0x10100] =	vst v63  }
0xc2: {  	v3 =	vld [tilespmem:$0xA0];
	_ =	sdelay $0x4  }
0xc3: {  	v62 =	vshll.u32 v3, $0x3  }
0xc4: {  	v3 =	vand.u32 $0x7, v3;
	v4 =	vand.u32 $0xFFFFFFC0, v62  }
0xc5: {  	v3 =	vor.u32 v3, v4  }
0xc6: {  	v4 =	vperm.xlane v3, v0;
	_ =	sdelay $0x1  }
0xc7: {  	v4 =	vadd.s32 v1, v4;
	_ =	sdelay $0x3  }
0xc8: {  	s29 =	simm.s32 $0x8100  }
0xc9: {  	[tilespmem:s29], [sflag:$0x2] =	stream.indirect_vreg.gather [hbm4b:s3+s25], $0x80, v4, vm0, $0xb8;
	[tilespmem:$0x10100] =	vst v63  }
0xca: {  	s30 =	simm.s32 $0x8900;
	v3 =	vperm.xlane v3, v2  }
0xcb: {  	[tilespmem:s30], [sflag:$0x2] =	stream.indirect_vreg.gather [hbm4b:s6+s25], $0x80, v4, vm0, $0xb8;
	[tilespmem:$0x10100] =	vst v63  }
0xcc: {  	s31 =	simm.s32 $0x9100;
	v3 =	vadd.s32 v1, v3  }
0xcd: {  	[tilespmem:s31], [sflag:$0x2] =	stream.indirect_vreg.gather [hbm4b:s7+s25], $0x80, v4, vm0, $0xb8;
	[tilespmem:$0x10100] =	vst v63  }
0xce: {  	_ = 	snop  }
0xcf: {  	[tilespmem:s13], [sflag:$0x2] =	stream.indirect_vreg.gather [hbm4b:s8+s25], $0x80, v4, vm0, $0xb8;
	[tilespmem:$0x10100] =	vst v63  }
0xd0: {  	_ = 	snop  }
0xd1: {  	[tilespmem:s5], [sflag:$0x2] =	stream.indirect_vreg.gather [hbm4b:s3+s25], $0x80, v3, vm0, $0xb8;
	[tilespmem:$0x10100] =	vst v63  }
0xd2: {  	_ = 	snop  }
0xd3: {  	[tilespmem:s15], [sflag:$0x2] =	stream.indirect_vreg.gather [hbm4b:s6+s25], $0x80, v3, vm0, $0xb8;
	[tilespmem:$0x10100] =	vst v63  }
0xd4: {  	_ = 	snop  }
0xd5: {  	[tilespmem:s10], [sflag:$0x2] =	stream.indirect_vreg.gather [hbm4b:s7+s25], $0x80, v3, vm0, $0xb8;
	[tilespmem:$0x10100] =	vst v63  }
0xd6: {  	_ = 	snop  }
0xd7: {  	[tilespmem:s16], [sflag:$0x2] =	stream.indirect_vreg.gather [hbm4b:s8+s25], $0x80, v3, vm0, $0xb8;
	[tilespmem:$0x10100] =	vst v63  }
0xd8: {  	v3 =	vld [tilespmem:$0xB0];
	_ =	sdelay $0x4  }
0xd9: {  	v63 =	vshll.u32 v3, $0x3  }
0xda: {  	v3 =	vand.u32 $0x7, v3;
	v4 =	vand.u32 $0xFFFFFFC0, v63  }
0xdb: {  	v3 =	vor.u32 v3, v4  }
0xdc: {  	v4 =	vperm.xlane v3, v0;
	_ =	sdelay $0x1  }
0xdd: {  	v4 =	vadd.s32 v1, v4;
	_ =	sdelay $0x4  }
0xde: {  	[tilespmem:s11], [sflag:$0x2] =	stream.indirect_vreg.gather [hbm4b:s3+s25], $0x80, v4, vm0, $0xb8;
	[tilespmem:$0x10100] =	vst v63  }
0xdf: {  	v3 =	vperm.xlane v3, v2  }
0xe0: {  	[tilespmem:s17], [sflag:$0x2] =	stream.indirect_vreg.gather [hbm4b:s6+s25], $0x80, v4, vm0, $0xb8;
	[tilespmem:$0x10100] =	vst v63  }
0xe1: {  	v3 =	vadd.s32 v1, v3  }
0xe2: {  	[tilespmem:s18], [sflag:$0x2] =	stream.indirect_vreg.gather [hbm4b:s7+s25], $0x80, v4, vm0, $0xb8;
	[tilespmem:$0x10100] =	vst v63  }
0xe3: {  	_ = 	snop  }
0xe4: {  	[tilespmem:s4], [sflag:$0x2] =	stream.indirect_vreg.gather [hbm4b:s8+s25], $0x80, v4, vm0, $0xb8;
	[tilespmem:$0x10100] =	vst v63  }
0xe5: {  	_ = 	snop  }
0xe6: {  	[tilespmem:s19], [sflag:$0x2] =	stream.indirect_vreg.gather [hbm4b:s3+s25], $0x80, v3, vm0, $0xb8;
	[tilespmem:$0x10100] =	vst v63  }
0xe7: {  	_ = 	snop  }
0xe8: {  	[tilespmem:s20], [sflag:$0x2] =	stream.indirect_vreg.gather [hbm4b:s6+s25], $0x80, v3, vm0, $0xb8;
	[tilespmem:$0x10100] =	vst v63  }
0xe9: {  	_ = 	snop  }
0xea: {  	[tilespmem:s21], [sflag:$0x2] =	stream.indirect_vreg.gather [hbm4b:s7+s25], $0x80, v3, vm0, $0xb8;
	[tilespmem:$0x10100] =	vst v63  }
0xeb: {  	_ = 	snop  }
0xec: {  	[tilespmem:s22], [sflag:$0x2] =	stream.indirect_vreg.gather [hbm4b:s8+s25], $0x80, v3, vm0, $0xb8;
	[tilespmem:$0x10100] =	vst v63  }
0xed: {  	_ =	swait.ge [sflag:s23], $0x8000  }
0xee: {  	[sflag:s23] =	ssyncset.done $0x0  }
0xef: {  	[sflag:s23] =	ssyncadd.s32 $0xFFFF8000  }
0xf0: {  	_ =	swait.ge [sflag:s24], $0x8000  }
0xf1: {  	[sflag:s24] =	ssyncset.done $0x0  }
0xf2: {  	s26 =	simm.s32 $0x0;
	[sflag:s24] =	ssyncadd.s32 $0xFFFF8000  }
.LBB2_6:
0xf3: {  	s0 =	sshll.u32 s26, $0xA;
	s1 =	sshll.u32 s26, $0x7  }
0xf4: {  	s0 =	sand.u32 $0x6000, s0;
	s1 =	sand.u32 $0x380, s1  }
0xf5: {  	s28 =	sor.u32 s0, s1;
	s0 =	sand.u32 $0x1C00, s25  }
0xf6: {  	s1 =	sand.u32 $0x70, s25;
	s0 =	sor.u32 s0, s28  }
0xf7: {  	s29 =	sor.u32 s1, s0  }
0xf8: {  	v3 =	vld [tilespmem:s29+$0x8100]  }
0xf9: {  	v4 =	vld [tilespmem:s29+$0x100];
	_ =	sdelay $0x2  }
0xfa: {  	s30 =	simm.s32 $0x80  }
0xfb: {  	s0 =	simm.s32 $0x10;
	s1 =	sand.u32 $0x1C00, s30  }
0xfc: {  	s31 =	simm.s32 $0x20;
	s0 =	sand.u32 $0x70, s0;
	s1 =	sor.u32 s1, s28;
	v3 =	vadd.f32 v3, v4  }
.LBB2_7:
0xfd: {  	p0 =	sne.s32 s31, $0x3F0;
	s0 =	sor.u32 s0, s1  }
0xfe: {  	v4 =	vld [tilespmem:s0+$0x8100];
	[tilespmem:s29+$0x100] =	vst v3;
	s29 =	smov.u32 s0  }
0xff: {  	v3 =	vld [tilespmem:s29+$0x100]  }
.Ltmp2:
0x100: {  	(pc) =	sbr.rel @p0 .LBB2_7-.Ltmp2, $4  }
0x101: {  	_ = 	snop  }
0x102: {  	s30 =	sadd.s32 $0x80, s30  }
0x103: {  	s1 =	sand.u32 $0x1C00, s30  }
0x104: {  	s0 =	sand.u32 $0x70, s31;
	s31 =	sadd.s32 $0x10, s31;
	s1 =	sor.u32 s1, s28;
	v3 =	vadd.f32 v4, v3  }
0x105: {  	s0 =	sor.u32 s0, s1  }
0x106: {  	v4 =	vld [tilespmem:s0+$0x8100];
	[tilespmem:s29+$0x100] =	vst v3  }
0x107: {  	v3 =	vld [tilespmem:s0+$0x100]  }
0x108: {  	s26 =	sadd.s32 $0x1, s26  }
0x109: {  	p0 =	sne.s32 s26, $0x20  }
.Ltmp3:
0x10a: {  	_ = 	snop;
	(pc) =	sbr.rel @p0 .LBB2_6-.Ltmp3, $3  }
0x10b: {  	_ = 	snop  }
0x10c: {  	v3 =	vadd.f32 v4, v3;
	_ =	sdelay $0x1  }
0x10d: {  	[tilespmem:s0+$0x100] =	vst v3  }
0x10e: {  	s0 =	rddreg [dreg:$0x6]  }
0x10f: {  	[hbm4b:s0+s2] =	stream.linear.scatter [tilespmem:s14], [sflag:$0x3], $0x8000, $0x38;
	[tilespmem:$0x10100] =	vst v63  }
0x110: {  	_ =	swait.ge [sflag:s12], $0x8000  }
0x111: {  	s9 =	sadd.s32 $0x1, s9;
	s31 =	rddreg [dreg:$0x7]  }
0x112: {  	p0 =	sne.s32 s9, s31  }
.Ltmp4:
0x113: {  	_ = 	snop;
	(pc) =	sbr.rel @p0 .LBB2_1-.Ltmp4, $3  }
0x114: {  	_ =	sdelay $0x1  }
0x115: {  	[sflag:s12] =	ssyncset.done $0x0  }
0x116: {  	[sflag:s12] =	ssyncadd.s32 $0xFFFF8000  }
0x117: {  	_ =	sfence.sel $0x180000  }
0x118: {  	[bflag:$0x0] =	sbarrier.arrive $0xFFFF  }
0x119: {  	_ =	strace $0x90000047  }
0x11a: {  	s0 =	stileid.u32;
	[bflag:$0x2] =	sbarrier.arrive $0xFFFF  }
0x11b: {  	p0 =	sne.s32 s0, $0x0;
	s0 =	rddreg [dreg:$0x2]  }
0x11c: {  	s0 =	sadd.s32 @!p0 $0x100000, s0  }
0x11d: {  	[sflag:s0] =	ssyncadd.tile.s32 @!p0 $0x1;
	_ =	shalt  }
.Lfunc_end2:
_tile_overlayer_lowered:
.L_overlay_start_2:
0x11e: {  	(tag) =	ssettag $0x2  }
0x11f: {  	s0 =	rddreg [dreg:$0x0];
	s2 =	stileid.u32  }
0x120: {  	s1 =	rddreg [dreg:$0x1];
	p0 =	sne.s32 s2, $0x0  }
0x121: {  	s3 =	rddreg [dreg:$0x2];
	[bflag:$0x3] =	sbarrier.arrive $0xFFFF;
	s2 =	simm.s32 @!p0 $0x1C03  }
0x122: {  	[timem:s3], [sflag:s2] =	dma.local @!p0 [hbm:s0], s1  }
0x123: {  	s0 =	simm.s32 @!p0 $0x3  }
0x124: {  	_ =	swait.ge @!p0 [sflag:s0], s1  }
0x125: {  	s1 =	ssub.s32 @!p0 $0x0, s1;
	[sflag:s0] =	ssyncset.done @!p0 $0x0  }
0x126: {  	[sflag:s0] =	ssyncadd.s32 @!p0 s1  }
0x127: {  	[bflag:$0x3] =	sbarrier.arrive $0xFFFF  }
0x128: {  	_ =	shalt  }

</sc_bundles>
